<compile_context>
chip_gen: v7x
topology: tpu7x:2x2x1
jax: 0.10.2.dev20260603
libtpu: 0.0.44.dev20260713+nightly
codegen_flags: <defaults>
</compile_context>

<pallas_src>
import functools

import jax
import jax.numpy as jnp
from jax import lax
from jax.experimental import pallas as pl
from jax.experimental.pallas import tpu as pltpu
from jax.experimental.pallas import tpu_sc as plsc

D_MODEL = 128
NUM_CORES = 2
NUM_SUBCORES = 16
NUM_WORKERS = NUM_CORES * NUM_SUBCORES

TOKENS_PER_GROUP = 8


def _make_gather(N: int, S: int, V: int):
  assert N % (NUM_WORKERS * TOKENS_PER_GROUP) == 0
  t_per_w = N // NUM_WORKERS
  n_groups = t_per_w // TOKENS_PER_GROUP
  assert n_groups % 2 == 0

  mesh = plsc.VectorSubcoreMesh(
      core_axis_name="c", subcore_axis_name="s",
      num_cores=NUM_CORES, num_subcores=NUM_SUBCORES)

  @functools.partial(
      pl.kernel,
      out_type=jax.ShapeDtypeStruct((N, S, D_MODEL), jnp.float32),
      mesh=mesh,
      scratch_types=[
          pltpu.VMEM((2, TOKENS_PER_GROUP, S), jnp.int32),
          pltpu.VMEM((2, TOKENS_PER_GROUP, S, D_MODEL), jnp.float32),
          pltpu.VMEM_SHARED((V, D_MODEL), jnp.float32),
          pltpu.SemaphoreType.DMA,
          pltpu.SemaphoreType.DMA,
          pltpu.SemaphoreType.DMA,
          pltpu.SemaphoreType.DMA,
      ],
  )
  def gather_kernel(idx_hbm, table_hbm, out_hbm, idx_v, rows_v, table_sp,
                    gsem0, gsem1, ssem0, ssem1):
    wid = lax.axis_index("s") * NUM_CORES + lax.axis_index("c")
    tok_base = wid * t_per_w
    gsem = (gsem0, gsem1)
    ssem = (ssem0, ssem1)

    @pl.when(lax.axis_index("s") == 0)
    def _():
      pltpu.sync_copy(table_hbm, table_sp)

    plsc.subcore_barrier()

    def fire_gather(g, buf):
      tok0 = tok_base + g * TOKENS_PER_GROUP
      pltpu.sync_copy(idx_hbm.at[pl.ds(tok0, TOKENS_PER_GROUP)],
                      idx_v.at[buf])
      for j in range(TOKENS_PER_GROUP):
        pltpu.async_copy(
            table_sp.at[idx_v.at[buf].at[j]],
            rows_v.at[buf].at[j],
            gsem[buf])

    def wait_gather(buf):
      for j in range(TOKENS_PER_GROUP):
        pltpu.make_async_copy(
            table_sp.at[idx_v.at[buf].at[j]],
            rows_v.at[buf].at[j],
            gsem[buf]).wait()

    def wait_scatter(buf):
      pltpu.make_async_copy(
          rows_v.at[buf], out_hbm.at[pl.ds(tok_base, TOKENS_PER_GROUP)],
          ssem[buf]).wait()

    fire_gather(0, 0)

    @pl.loop(0, n_groups // 2)
    def _(p):
      for buf in (0, 1):
        g = 2 * p + buf
        other = 1 - buf

        @pl.when(g + 1 < n_groups)
        def _():
          @pl.when(g >= 1)
          def _():
            wait_scatter(other)
          fire_gather(g + 1, other)

        wait_gather(buf)
        pltpu.async_copy(
            rows_v.at[buf],
            out_hbm.at[pl.ds(tok_base + g * TOKENS_PER_GROUP,
                             TOKENS_PER_GROUP)],
            ssem[buf])

    wait_scatter(0)
    wait_scatter(1)

  return gather_kernel


def kernel(var_indices, var_embedding):
  n, s = var_indices.shape
  idx = var_indices.astype(jnp.int32)
  return _make_gather(n, s, var_embedding.shape[0])(idx, var_embedding)

# --- scband reference (transcript-rebuilt; emitter-appended) ---
"""Pipeline reference for scband-variable-embedding-qwen-56994216018387 (READ-ONLY COPY).

The authoritative reference and input builder live on the scoring server;
editing this copy changes nothing except your own understanding.
"""

import jax, jax.numpy as jnp
import numpy as np

D_VAR = 1000
D_MODEL = 128

def setup_inputs(seed: int = 0) -> dict:
    key = jax.random.key(seed)
    k1, k2 = jax.random.split(key)
    var_indices = jax.random.randint(k1, (16384, 50), 0, D_VAR, dtype=jnp.int64 if jax.config.read('jax_enable_x64') else jnp.int32)
    var_embedding = jax.random.normal(k2, (D_VAR, D_MODEL), dtype=jnp.float32)
    return {"var_indices": var_indices, "var_embedding": var_embedding}

def reference(var_indices, var_embedding):
    # nn.Embedding lookup: table[idx]
    return jnp.take(var_embedding, var_indices, axis=0)

if __name__ == "__main__":
    import jax
    _d = setup_inputs()
    print(jax.jit(kernel)(*tuple(_d.values())))

</pallas_src>

<mosaic_0001>
#map = affine_map<(d0, d1) -> (0, 0)>
#map1 = affine_map<(d0, d1) -> (0, 0, 0)>
module attributes {stable_mosaic.version = 14 : i64} {
  func.func @gather_kernel(%arg0: i32, %arg1: i32, %arg2: memref<16384x50xi32, #tpu.memory_space<hbm>>, %arg3: memref<1000x128xf32, #tpu.memory_space<hbm>>, %arg4: memref<16384x50x128xf32, #tpu.memory_space<hbm>>, %arg5: memref<2x8x50xi32, #tpu.memory_space<vmem>>, %arg6: memref<2x8x50x128xf32, #tpu.memory_space<vmem>>, %arg7: memref<1000x128xf32, #tpu.memory_space<vmem_shared>>, %arg8: memref<!tpu.dma_semaphore, #tpu.memory_space<semaphore_mem>>, %arg9: memref<!tpu.dma_semaphore, #tpu.memory_space<semaphore_mem>>, %arg10: memref<!tpu.dma_semaphore, #tpu.memory_space<semaphore_mem>>, %arg11: memref<!tpu.dma_semaphore, #tpu.memory_space<semaphore_mem>>) attributes {dimension_semantics = [#tpu.dimension_semantics<core_parallel>, #tpu.dimension_semantics<subcore_parallel>], iteration_bounds = array<i64: 2, 16>, scalar_prefetch = 0 : i64, scratch_operands = 7 : i64, tpu.core_type = #tpu.core_type<sc_vector_subcore>, window_params = [{transform_indices = #map}, {transform_indices = #map}, {transform_indices = #map1}]} {
    %mul3A = arith.constant 2 : i32
    %mul3A_0 = arith.muli %arg1, %mul3A : i32
    %add3A = arith.addi %mul3A_0, %arg0 : i32
    %mul3A_1 = arith.constant 512 : i32
    %mul3A_2 = arith.muli %add3A, %mul3A_1 : i32
    %eq3A = arith.constant 0 : i32
    %eq3A_3 = arith.cmpi eq, %arg1, %eq3A : i32
    %convert_element_type3A = arith.extui %eq3A_3 : i1 to i32
    %cond3A = arith.constant 0 : i32
    %cond3A_4 = arith.cmpi ne, %convert_element_type3A, %cond3A : i32
    scf.if %cond3A_4 {
      "tpu.region"() ({
        %run_scoped3A_227 = tpu.sem_alloc : memref<!tpu.dma_semaphore, #tpu.memory_space<semaphore_mem>>
        tpu.enqueue_dma source(%arg3 : memref<1000x128xf32, #tpu.memory_space<hbm>>) target(%arg7 : memref<1000x128xf32, #tpu.memory_space<vmem_shared>>) target_semaphore(%run_scoped3A_227 : memref<!tpu.dma_semaphore, #tpu.memory_space<semaphore_mem>>)
        tpu.wait_dma2 semaphore(%run_scoped3A_227 : memref<!tpu.dma_semaphore, #tpu.memory_space<semaphore_mem>>) src(%arg3 : memref<1000x128xf32, #tpu.memory_space<hbm>>) dst(%arg7 : memref<1000x128xf32, #tpu.memory_space<vmem_shared>>)
        tpu.yield
      }) : () -> ()
    } else {
    }
    %barrier3A = arith.constant 0 : index
    tpu.barrier barrier_id(%barrier3A)
    %add3A_5 = arith.constant 0 : i32
    %add3A_6 = arith.addi %mul3A_2, %add3A_5 : i32
    %run_scoped3A = arith.constant 0 : i32
    "tpu.region"() ({
      %run_scoped3A_227 = tpu.sem_alloc : memref<!tpu.dma_semaphore, #tpu.memory_space<semaphore_mem>>
      %dma_start3A_228 = arith.constant 0 : i32
      %dma_start3A_229 = arith.constant 0 : i32
      %dma_start3A_230 = tpu.memref_slice %arg5[%run_scoped3A, %dma_start3A_228, %dma_start3A_229] : memref<2x8x50xi32, #tpu.memory_space<vmem>> -> memref<1x8x50xi32, #tpu.memory_space<vmem>>
      %dma_start3A_231 = tpu.memref_squeeze %dma_start3A_230 : memref<1x8x50xi32, #tpu.memory_space<vmem>> -> memref<8x50xi32, #tpu.memory_space<vmem>>
      %dma_start3A_232 = arith.constant 0 : i32
      %dma_start3A_233 = tpu.memref_slice %arg2[%add3A_6, %dma_start3A_232] : memref<16384x50xi32, #tpu.memory_space<hbm>> -> memref<8x50xi32, #tpu.memory_space<hbm>>
      %dma_start3A_234 = arith.constant 0 : i32
      %dma_start3A_235 = arith.constant 0 : i32
      %dma_start3A_236 = tpu.memref_slice %arg5[%run_scoped3A, %dma_start3A_234, %dma_start3A_235] : memref<2x8x50xi32, #tpu.memory_space<vmem>> -> memref<1x8x50xi32, #tpu.memory_space<vmem>>
      %dma_start3A_237 = tpu.memref_squeeze %dma_start3A_236 : memref<1x8x50xi32, #tpu.memory_space<vmem>> -> memref<8x50xi32, #tpu.memory_space<vmem>>
      %dma_start3A_238 = arith.constant 0 : i32
      %dma_start3A_239 = tpu.memref_slice %arg2[%add3A_6, %dma_start3A_238] : memref<16384x50xi32, #tpu.memory_space<hbm>> -> memref<8x50xi32, #tpu.memory_space<hbm>>
      tpu.enqueue_dma source(%dma_start3A_239 : memref<8x50xi32, #tpu.memory_space<hbm>>) target(%dma_start3A_237 : memref<8x50xi32, #tpu.memory_space<vmem>>) target_semaphore(%run_scoped3A_227 : memref<!tpu.dma_semaphore, #tpu.memory_space<semaphore_mem>>)
      %dma_wait3A_240 = arith.constant 0 : i32
      %dma_wait3A_241 = arith.constant 0 : i32
      %dma_wait3A_242 = tpu.memref_slice %arg5[%run_scoped3A, %dma_wait3A_240, %dma_wait3A_241] : memref<2x8x50xi32, #tpu.memory_space<vmem>> -> memref<1x8x50xi32, #tpu.memory_space<vmem>>
      %dma_wait3A_243 = tpu.memref_squeeze %dma_wait3A_242 : memref<1x8x50xi32, #tpu.memory_space<vmem>> -> memref<8x50xi32, #tpu.memory_space<vmem>>
      %dma_wait3A_244 = arith.constant 0 : i32
      %dma_wait3A_245 = tpu.memref_slice %arg2[%add3A_6, %dma_wait3A_244] : memref<16384x50xi32, #tpu.memory_space<hbm>> -> memref<8x50xi32, #tpu.memory_space<hbm>>
      %dma_wait3A_246 = arith.constant 0 : i32
      %dma_wait3A_247 = arith.constant 0 : i32
      %dma_wait3A_248 = tpu.memref_slice %arg5[%run_scoped3A, %dma_wait3A_246, %dma_wait3A_247] : memref<2x8x50xi32, #tpu.memory_space<vmem>> -> memref<1x8x50xi32, #tpu.memory_space<vmem>>
      %dma_wait3A_249 = tpu.memref_squeeze %dma_wait3A_248 : memref<1x8x50xi32, #tpu.memory_space<vmem>> -> memref<8x50xi32, #tpu.memory_space<vmem>>
      %dma_wait3A_250 = arith.constant 0 : i32
      %dma_wait3A_251 = tpu.memref_slice %arg2[%add3A_6, %dma_wait3A_250] : memref<16384x50xi32, #tpu.memory_space<hbm>> -> memref<8x50xi32, #tpu.memory_space<hbm>>
      tpu.wait_dma2 semaphore(%run_scoped3A_227 : memref<!tpu.dma_semaphore, #tpu.memory_space<semaphore_mem>>) src(%dma_wait3A_251 : memref<8x50xi32, #tpu.memory_space<hbm>>) dst(%dma_wait3A_249 : memref<8x50xi32, #tpu.memory_space<vmem>>)
      tpu.yield
    }) : () -> ()
    %dma_start3A = arith.constant 0 : i32
    %dma_start3A_7 = arith.constant 0 : i32
    %dma_start3A_8 = arith.constant 0 : i32
    %dma_start3A_9 = arith.constant 0 : i32
    %dma_start3A_10 = arith.constant 0 : i32
    %dma_start3A_11 = arith.constant 0 : i32
    %dma_start3A_12 = arith.constant 0 : i32
    %dma_start3A_13 = tpu.memref_slice %arg6[%dma_start3A_8, %dma_start3A_10, %dma_start3A_11, %dma_start3A_12] : memref<2x8x50x128xf32, #tpu.memory_space<vmem>> -> memref<1x8x50x128xf32, #tpu.memory_space<vmem>>
    %dma_start3A_14 = tpu.memref_squeeze %dma_start3A_13 : memref<1x8x50x128xf32, #tpu.memory_space<vmem>> -> memref<8x50x128xf32, #tpu.memory_space<vmem>>
    %dma_start3A_15 = arith.constant 0 : i32
    %dma_start3A_16 = arith.constant 0 : i32
    %dma_start3A_17 = tpu.memref_slice %dma_start3A_14[%dma_start3A_9, %dma_start3A_15, %dma_start3A_16] : memref<8x50x128xf32, #tpu.memory_space<vmem>> -> memref<1x50x128xf32, #tpu.memory_space<vmem>>
    %dma_start3A_18 = tpu.memref_squeeze %dma_start3A_17 : memref<1x50x128xf32, #tpu.memory_space<vmem>> -> memref<50x128xf32, #tpu.memory_space<vmem>>
    %dma_start3A_19 = arith.constant 0 : i32
    %dma_start3A_20 = arith.constant 0 : i32
    %dma_start3A_21 = tpu.memref_slice %arg5[%dma_start3A, %dma_start3A_19, %dma_start3A_20] : memref<2x8x50xi32, #tpu.memory_space<vmem>> -> memref<1x8x50xi32, #tpu.memory_space<vmem>>
    %dma_start3A_22 = tpu.memref_squeeze %dma_start3A_21 : memref<1x8x50xi32, #tpu.memory_space<vmem>> -> memref<8x50xi32, #tpu.memory_space<vmem>>
    %dma_start3A_23 = arith.constant 0 : i32
    %dma_start3A_24 = tpu.memref_slice %dma_start3A_22[%dma_start3A_7, %dma_start3A_23] : memref<8x50xi32, #tpu.memory_space<vmem>> -> memref<1x50xi32, #tpu.memory_space<vmem>>
    %dma_start3A_25 = tpu.memref_squeeze %dma_start3A_24 : memref<1x50xi32, #tpu.memory_space<vmem>> -> memref<50xi32, #tpu.memory_space<vmem>>
    %dma_start3A_26 = arith.constant 0 : i32
    %dma_start3A_27 = arith.constant 0 : i32
    %dma_start3A_28 = tpu.memref_slice %arg7[%dma_start3A_26, %dma_start3A_27] : memref<1000x128xf32, #tpu.memory_space<vmem_shared>> -> memref<1000x128xf32, #tpu.memory_space<vmem_shared>>
    tpu.enqueue_indirect_dma source(%dma_start3A_28 : memref<1000x128xf32, #tpu.memory_space<vmem_shared>>) target(%dma_start3A_18 : memref<50x128xf32, #tpu.memory_space<vmem>>) offsets(%dma_start3A_25 : memref<50xi32, #tpu.memory_space<vmem>>) semaphore(%arg8 : memref<!tpu.dma_semaphore, #tpu.memory_space<semaphore_mem>>)
    %dma_start3A_29 = arith.constant 0 : i32
    %dma_start3A_30 = arith.constant 1 : i32
    %dma_start3A_31 = arith.constant 0 : i32
    %dma_start3A_32 = arith.constant 1 : i32
    %dma_start3A_33 = arith.constant 0 : i32
    %dma_start3A_34 = arith.constant 0 : i32
    %dma_start3A_35 = arith.constant 0 : i32
    %dma_start3A_36 = tpu.memref_slice %arg6[%dma_start3A_31, %dma_start3A_33, %dma_start3A_34, %dma_start3A_35] : memref<2x8x50x128xf32, #tpu.memory_space<vmem>> -> memref<1x8x50x128xf32, #tpu.memory_space<vmem>>
    %dma_start3A_37 = tpu.memref_squeeze %dma_start3A_36 : memref<1x8x50x128xf32, #tpu.memory_space<vmem>> -> memref<8x50x128xf32, #tpu.memory_space<vmem>>
    %dma_start3A_38 = arith.constant 0 : i32
    %dma_start3A_39 = arith.constant 0 : i32
    %dma_start3A_40 = tpu.memref_slice %dma_start3A_37[%dma_start3A_32, %dma_start3A_38, %dma_start3A_39] : memref<8x50x128xf32, #tpu.memory_space<vmem>> -> memref<1x50x128xf32, #tpu.memory_space<vmem>>
    %dma_start3A_41 = tpu.memref_squeeze %dma_start3A_40 : memref<1x50x128xf32, #tpu.memory_space<vmem>> -> memref<50x128xf32, #tpu.memory_space<vmem>>
    %dma_start3A_42 = arith.constant 0 : i32
    %dma_start3A_43 = arith.constant 0 : i32
    %dma_start3A_44 = tpu.memref_slice %arg5[%dma_start3A_29, %dma_start3A_42, %dma_start3A_43] : memref<2x8x50xi32, #tpu.memory_space<vmem>> -> memref<1x8x50xi32, #tpu.memory_space<vmem>>
    %dma_start3A_45 = tpu.memref_squeeze %dma_start3A_44 : memref<1x8x50xi32, #tpu.memory_space<vmem>> -> memref<8x50xi32, #tpu.memory_space<vmem>>
    %dma_start3A_46 = arith.constant 0 : i32
    %dma_start3A_47 = tpu.memref_slice %dma_start3A_45[%dma_start3A_30, %dma_start3A_46] : memref<8x50xi32, #tpu.memory_space<vmem>> -> memref<1x50xi32, #tpu.memory_space<vmem>>
    %dma_start3A_48 = tpu.memref_squeeze %dma_start3A_47 : memref<1x50xi32, #tpu.memory_space<vmem>> -> memref<50xi32, #tpu.memory_space<vmem>>
    %dma_start3A_49 = arith.constant 0 : i32
    %dma_start3A_50 = arith.constant 0 : i32
    %dma_start3A_51 = tpu.memref_slice %arg7[%dma_start3A_49, %dma_start3A_50] : memref<1000x128xf32, #tpu.memory_space<vmem_shared>> -> memref<1000x128xf32, #tpu.memory_space<vmem_shared>>
    tpu.enqueue_indirect_dma source(%dma_start3A_51 : memref<1000x128xf32, #tpu.memory_space<vmem_shared>>) target(%dma_start3A_41 : memref<50x128xf32, #tpu.memory_space<vmem>>) offsets(%dma_start3A_48 : memref<50xi32, #tpu.memory_space<vmem>>) semaphore(%arg8 : memref<!tpu.dma_semaphore, #tpu.memory_space<semaphore_mem>>)
    %dma_start3A_52 = arith.constant 0 : i32
    %dma_start3A_53 = arith.constant 2 : i32
    %dma_start3A_54 = arith.constant 0 : i32
    %dma_start3A_55 = arith.constant 2 : i32
    %dma_start3A_56 = arith.constant 0 : i32
    %dma_start3A_57 = arith.constant 0 : i32
    %dma_start3A_58 = arith.constant 0 : i32
    %dma_start3A_59 = tpu.memref_slice %arg6[%dma_start3A_54, %dma_start3A_56, %dma_start3A_57, %dma_start3A_58] : memref<2x8x50x128xf32, #tpu.memory_space<vmem>> -> memref<1x8x50x128xf32, #tpu.memory_space<vmem>>
    %dma_start3A_60 = tpu.memref_squeeze %dma_start3A_59 : memref<1x8x50x128xf32, #tpu.memory_space<vmem>> -> memref<8x50x128xf32, #tpu.memory_space<vmem>>
    %dma_start3A_61 = arith.constant 0 : i32
    %dma_start3A_62 = arith.constant 0 : i32
    %dma_start3A_63 = tpu.memref_slice %dma_start3A_60[%dma_start3A_55, %dma_start3A_61, %dma_start3A_62] : memref<8x50x128xf32, #tpu.memory_space<vmem>> -> memref<1x50x128xf32, #tpu.memory_space<vmem>>
    %dma_start3A_64 = tpu.memref_squeeze %dma_start3A_63 : memref<1x50x128xf32, #tpu.memory_space<vmem>> -> memref<50x128xf32, #tpu.memory_space<vmem>>
    %dma_start3A_65 = arith.constant 0 : i32
    %dma_start3A_66 = arith.constant 0 : i32
    %dma_start3A_67 = tpu.memref_slice %arg5[%dma_start3A_52, %dma_start3A_65, %dma_start3A_66] : memref<2x8x50xi32, #tpu.memory_space<vmem>> -> memref<1x8x50xi32, #tpu.memory_space<vmem>>
    %dma_start3A_68 = tpu.memref_squeeze %dma_start3A_67 : memref<1x8x50xi32, #tpu.memory_space<vmem>> -> memref<8x50xi32, #tpu.memory_space<vmem>>
    %dma_start3A_69 = arith.constant 0 : i32
    %dma_start3A_70 = tpu.memref_slice %dma_start3A_68[%dma_start3A_53, %dma_start3A_69] : memref<8x50xi32, #tpu.memory_space<vmem>> -> memref<1x50xi32, #tpu.memory_space<vmem>>
    %dma_start3A_71 = tpu.memref_squeeze %dma_start3A_70 : memref<1x50xi32, #tpu.memory_space<vmem>> -> memref<50xi32, #tpu.memory_space<vmem>>
    %dma_start3A_72 = arith.constant 0 : i32
    %dma_start3A_73 = arith.constant 0 : i32
    %dma_start3A_74 = tpu.memref_slice %arg7[%dma_start3A_72, %dma_start3A_73] : memref<1000x128xf32, #tpu.memory_space<vmem_shared>> -> memref<1000x128xf32, #tpu.memory_space<vmem_shared>>
    tpu.enqueue_indirect_dma source(%dma_start3A_74 : memref<1000x128xf32, #tpu.memory_space<vmem_shared>>) target(%dma_start3A_64 : memref<50x128xf32, #tpu.memory_space<vmem>>) offsets(%dma_start3A_71 : memref<50xi32, #tpu.memory_space<vmem>>) semaphore(%arg8 : memref<!tpu.dma_semaphore, #tpu.memory_space<semaphore_mem>>)
    %dma_start3A_75 = arith.constant 0 : i32
    %dma_start3A_76 = arith.constant 3 : i32
    %dma_start3A_77 = arith.constant 0 : i32
    %dma_start3A_78 = arith.constant 3 : i32
    %dma_start3A_79 = arith.constant 0 : i32
    %dma_start3A_80 = arith.constant 0 : i32
    %dma_start3A_81 = arith.constant 0 : i32
    %dma_start3A_82 = tpu.memref_slice %arg6[%dma_start3A_77, %dma_start3A_79, %dma_start3A_80, %dma_start3A_81] : memref<2x8x50x128xf32, #tpu.memory_space<vmem>> -> memref<1x8x50x128xf32, #tpu.memory_space<vmem>>
    %dma_start3A_83 = tpu.memref_squeeze %dma_start3A_82 : memref<1x8x50x128xf32, #tpu.memory_space<vmem>> -> memref<8x50x128xf32, #tpu.memory_space<vmem>>
    %dma_start3A_84 = arith.constant 0 : i32
    %dma_start3A_85 = arith.constant 0 : i32
    %dma_start3A_86 = tpu.memref_slice %dma_start3A_83[%dma_start3A_78, %dma_start3A_84, %dma_start3A_85] : memref<8x50x128xf32, #tpu.memory_space<vmem>> -> memref<1x50x128xf32, #tpu.memory_space<vmem>>
    %dma_start3A_87 = tpu.memref_squeeze %dma_start3A_86 : memref<1x50x128xf32, #tpu.memory_space<vmem>> -> memref<50x128xf32, #tpu.memory_space<vmem>>
    %dma_start3A_88 = arith.constant 0 : i32
    %dma_start3A_89 = arith.constant 0 : i32
    %dma_start3A_90 = tpu.memref_slice %arg5[%dma_start3A_75, %dma_start3A_88, %dma_start3A_89] : memref<2x8x50xi32, #tpu.memory_space<vmem>> -> memref<1x8x50xi32, #tpu.memory_space<vmem>>
    %dma_start3A_91 = tpu.memref_squeeze %dma_start3A_90 : memref<1x8x50xi32, #tpu.memory_space<vmem>> -> memref<8x50xi32, #tpu.memory_space<vmem>>
    %dma_start3A_92 = arith.constant 0 : i32
    %dma_start3A_93 = tpu.memref_slice %dma_start3A_91[%dma_start3A_76, %dma_start3A_92] : memref<8x50xi32, #tpu.memory_space<vmem>> -> memref<1x50xi32, #tpu.memory_space<vmem>>
    %dma_start3A_94 = tpu.memref_squeeze %dma_start3A_93 : memref<1x50xi32, #tpu.memory_space<vmem>> -> memref<50xi32, #tpu.memory_space<vmem>>
    %dma_start3A_95 = arith.constant 0 : i32
    %dma_start3A_96 = arith.constant 0 : i32
    %dma_start3A_97 = tpu.memref_slice %arg7[%dma_start3A_95, %dma_start3A_96] : memref<1000x128xf32, #tpu.memory_space<vmem_shared>> -> memref<1000x128xf32, #tpu.memory_space<vmem_shared>>
    tpu.enqueue_indirect_dma source(%dma_start3A_97 : memref<1000x128xf32, #tpu.memory_space<vmem_shared>>) target(%dma_start3A_87 : memref<50x128xf32, #tpu.memory_space<vmem>>) offsets(%dma_start3A_94 : memref<50xi32, #tpu.memory_space<vmem>>) semaphore(%arg8 : memref<!tpu.dma_semaphore, #tpu.memory_space<semaphore_mem>>)
    %dma_start3A_98 = arith.constant 0 : i32
    %dma_start3A_99 = arith.constant 4 : i32
    %dma_start3A_100 = arith.constant 0 : i32
    %dma_start3A_101 = arith.constant 4 : i32
    %dma_start3A_102 = arith.constant 0 : i32
    %dma_start3A_103 = arith.constant 0 : i32
    %dma_start3A_104 = arith.constant 0 : i32
    %dma_start3A_105 = tpu.memref_slice %arg6[%dma_start3A_100, %dma_start3A_102, %dma_start3A_103, %dma_start3A_104] : memref<2x8x50x128xf32, #tpu.memory_space<vmem>> -> memref<1x8x50x128xf32, #tpu.memory_space<vmem>>
    %dma_start3A_106 = tpu.memref_squeeze %dma_start3A_105 : memref<1x8x50x128xf32, #tpu.memory_space<vmem>> -> memref<8x50x128xf32, #tpu.memory_space<vmem>>
    %dma_start3A_107 = arith.constant 0 : i32
    %dma_start3A_108 = arith.constant 0 : i32
    %dma_start3A_109 = tpu.memref_slice %dma_start3A_106[%dma_start3A_101, %dma_start3A_107, %dma_start3A_108] : memref<8x50x128xf32, #tpu.memory_space<vmem>> -> memref<1x50x128xf32, #tpu.memory_space<vmem>>
    %dma_start3A_110 = tpu.memref_squeeze %dma_start3A_109 : memref<1x50x128xf32, #tpu.memory_space<vmem>> -> memref<50x128xf32, #tpu.memory_space<vmem>>
    %dma_start3A_111 = arith.constant 0 : i32
    %dma_start3A_112 = arith.constant 0 : i32
    %dma_start3A_113 = tpu.memref_slice %arg5[%dma_start3A_98, %dma_start3A_111, %dma_start3A_112] : memref<2x8x50xi32, #tpu.memory_space<vmem>> -> memref<1x8x50xi32, #tpu.memory_space<vmem>>
    %dma_start3A_114 = tpu.memref_squeeze %dma_start3A_113 : memref<1x8x50xi32, #tpu.memory_space<vmem>> -> memref<8x50xi32, #tpu.memory_space<vmem>>
    %dma_start3A_115 = arith.constant 0 : i32
    %dma_start3A_116 = tpu.memref_slice %dma_start3A_114[%dma_start3A_99, %dma_start3A_115] : memref<8x50xi32, #tpu.memory_space<vmem>> -> memref<1x50xi32, #tpu.memory_space<vmem>>
    %dma_start3A_117 = tpu.memref_squeeze %dma_start3A_116 : memref<1x50xi32, #tpu.memory_space<vmem>> -> memref<50xi32, #tpu.memory_space<vmem>>
    %dma_start3A_118 = arith.constant 0 : i32
    %dma_start3A_119 = arith.constant 0 : i32
    %dma_start3A_120 = tpu.memref_slice %arg7[%dma_start3A_118, %dma_start3A_119] : memref<1000x128xf32, #tpu.memory_space<vmem_shared>> -> memref<1000x128xf32, #tpu.memory_space<vmem_shared>>
    tpu.enqueue_indirect_dma source(%dma_start3A_120 : memref<1000x128xf32, #tpu.memory_space<vmem_shared>>) target(%dma_start3A_110 : memref<50x128xf32, #tpu.memory_space<vmem>>) offsets(%dma_start3A_117 : memref<50xi32, #tpu.memory_space<vmem>>) semaphore(%arg8 : memref<!tpu.dma_semaphore, #tpu.memory_space<semaphore_mem>>)
    %dma_start3A_121 = arith.constant 0 : i32
    %dma_start3A_122 = arith.constant 5 : i32
    %dma_start3A_123 = arith.constant 0 : i32
    %dma_start3A_124 = arith.constant 5 : i32
    %dma_start3A_125 = arith.constant 0 : i32
    %dma_start3A_126 = arith.constant 0 : i32
    %dma_start3A_127 = arith.constant 0 : i32
    %dma_start3A_128 = tpu.memref_slice %arg6[%dma_start3A_123, %dma_start3A_125, %dma_start3A_126, %dma_start3A_127] : memref<2x8x50x128xf32, #tpu.memory_space<vmem>> -> memref<1x8x50x128xf32, #tpu.memory_space<vmem>>
    %dma_start3A_129 = tpu.memref_squeeze %dma_start3A_128 : memref<1x8x50x128xf32, #tpu.memory_space<vmem>> -> memref<8x50x128xf32, #tpu.memory_space<vmem>>
    %dma_start3A_130 = arith.constant 0 : i32
    %dma_start3A_131 = arith.constant 0 : i32
    %dma_start3A_132 = tpu.memref_slice %dma_start3A_129[%dma_start3A_124, %dma_start3A_130, %dma_start3A_131] : memref<8x50x128xf32, #tpu.memory_space<vmem>> -> memref<1x50x128xf32, #tpu.memory_space<vmem>>
    %dma_start3A_133 = tpu.memref_squeeze %dma_start3A_132 : memref<1x50x128xf32, #tpu.memory_space<vmem>> -> memref<50x128xf32, #tpu.memory_space<vmem>>
    %dma_start3A_134 = arith.constant 0 : i32
    %dma_start3A_135 = arith.constant 0 : i32
    %dma_start3A_136 = tpu.memref_slice %arg5[%dma_start3A_121, %dma_start3A_134, %dma_start3A_135] : memref<2x8x50xi32, #tpu.memory_space<vmem>> -> memref<1x8x50xi32, #tpu.memory_space<vmem>>
    %dma_start3A_137 = tpu.memref_squeeze %dma_start3A_136 : memref<1x8x50xi32, #tpu.memory_space<vmem>> -> memref<8x50xi32, #tpu.memory_space<vmem>>
    %dma_start3A_138 = arith.constant 0 : i32
    %dma_start3A_139 = tpu.memref_slice %dma_start3A_137[%dma_start3A_122, %dma_start3A_138] : memref<8x50xi32, #tpu.memory_space<vmem>> -> memref<1x50xi32, #tpu.memory_space<vmem>>
    %dma_start3A_140 = tpu.memref_squeeze %dma_start3A_139 : memref<1x50xi32, #tpu.memory_space<vmem>> -> memref<50xi32, #tpu.memory_space<vmem>>
    %dma_start3A_141 = arith.constant 0 : i32
    %dma_start3A_142 = arith.constant 0 : i32
    %dma_start3A_143 = tpu.memref_slice %arg7[%dma_start3A_141, %dma_start3A_142] : memref<1000x128xf32, #tpu.memory_space<vmem_shared>> -> memref<1000x128xf32, #tpu.memory_space<vmem_shared>>
    tpu.enqueue_indirect_dma source(%dma_start3A_143 : memref<1000x128xf32, #tpu.memory_space<vmem_shared>>) target(%dma_start3A_133 : memref<50x128xf32, #tpu.memory_space<vmem>>) offsets(%dma_start3A_140 : memref<50xi32, #tpu.memory_space<vmem>>) semaphore(%arg8 : memref<!tpu.dma_semaphore, #tpu.memory_space<semaphore_mem>>)
    %dma_start3A_144 = arith.constant 0 : i32
    %dma_start3A_145 = arith.constant 6 : i32
    %dma_start3A_146 = arith.constant 0 : i32
    %dma_start3A_147 = arith.constant 6 : i32
    %dma_start3A_148 = arith.constant 0 : i32
    %dma_start3A_149 = arith.constant 0 : i32
    %dma_start3A_150 = arith.constant 0 : i32
    %dma_start3A_151 = tpu.memref_slice %arg6[%dma_start3A_146, %dma_start3A_148, %dma_start3A_149, %dma_start3A_150] : memref<2x8x50x128xf32, #tpu.memory_space<vmem>> -> memref<1x8x50x128xf32, #tpu.memory_space<vmem>>
    %dma_start3A_152 = tpu.memref_squeeze %dma_start3A_151 : memref<1x8x50x128xf32, #tpu.memory_space<vmem>> -> memref<8x50x128xf32, #tpu.memory_space<vmem>>
    %dma_start3A_153 = arith.constant 0 : i32
    %dma_start3A_154 = arith.constant 0 : i32
    %dma_start3A_155 = tpu.memref_slice %dma_start3A_152[%dma_start3A_147, %dma_start3A_153, %dma_start3A_154] : memref<8x50x128xf32, #tpu.memory_space<vmem>> -> memref<1x50x128xf32, #tpu.memory_space<vmem>>
    %dma_start3A_156 = tpu.memref_squeeze %dma_start3A_155 : memref<1x50x128xf32, #tpu.memory_space<vmem>> -> memref<50x128xf32, #tpu.memory_space<vmem>>
    %dma_start3A_157 = arith.constant 0 : i32
    %dma_start3A_158 = arith.constant 0 : i32
    %dma_start3A_159 = tpu.memref_slice %arg5[%dma_start3A_144, %dma_start3A_157, %dma_start3A_158] : memref<2x8x50xi32, #tpu.memory_space<vmem>> -> memref<1x8x50xi32, #tpu.memory_space<vmem>>
    %dma_start3A_160 = tpu.memref_squeeze %dma_start3A_159 : memref<1x8x50xi32, #tpu.memory_space<vmem>> -> memref<8x50xi32, #tpu.memory_space<vmem>>
    %dma_start3A_161 = arith.constant 0 : i32
    %dma_start3A_162 = tpu.memref_slice %dma_start3A_160[%dma_start3A_145, %dma_start3A_161] : memref<8x50xi32, #tpu.memory_space<vmem>> -> memref<1x50xi32, #tpu.memory_space<vmem>>
    %dma_start3A_163 = tpu.memref_squeeze %dma_start3A_162 : memref<1x50xi32, #tpu.memory_space<vmem>> -> memref<50xi32, #tpu.memory_space<vmem>>
    %dma_start3A_164 = arith.constant 0 : i32
    %dma_start3A_165 = arith.constant 0 : i32
    %dma_start3A_166 = tpu.memref_slice %arg7[%dma_start3A_164, %dma_start3A_165] : memref<1000x128xf32, #tpu.memory_space<vmem_shared>> -> memref<1000x128xf32, #tpu.memory_space<vmem_shared>>
    tpu.enqueue_indirect_dma source(%dma_start3A_166 : memref<1000x128xf32, #tpu.memory_space<vmem_shared>>) target(%dma_start3A_156 : memref<50x128xf32, #tpu.memory_space<vmem>>) offsets(%dma_start3A_163 : memref<50xi32, #tpu.memory_space<vmem>>) semaphore(%arg8 : memref<!tpu.dma_semaphore, #tpu.memory_space<semaphore_mem>>)
    %dma_start3A_167 = arith.constant 0 : i32
    %dma_start3A_168 = arith.constant 7 : i32
    %dma_start3A_169 = arith.constant 0 : i32
    %dma_start3A_170 = arith.constant 7 : i32
    %dma_start3A_171 = arith.constant 0 : i32
    %dma_start3A_172 = arith.constant 0 : i32
    %dma_start3A_173 = arith.constant 0 : i32
    %dma_start3A_174 = tpu.memref_slice %arg6[%dma_start3A_169, %dma_start3A_171, %dma_start3A_172, %dma_start3A_173] : memref<2x8x50x128xf32, #tpu.memory_space<vmem>> -> memref<1x8x50x128xf32, #tpu.memory_space<vmem>>
    %dma_start3A_175 = tpu.memref_squeeze %dma_start3A_174 : memref<1x8x50x128xf32, #tpu.memory_space<vmem>> -> memref<8x50x128xf32, #tpu.memory_space<vmem>>
    %dma_start3A_176 = arith.constant 0 : i32
    %dma_start3A_177 = arith.constant 0 : i32
    %dma_start3A_178 = tpu.memref_slice %dma_start3A_175[%dma_start3A_170, %dma_start3A_176, %dma_start3A_177] : memref<8x50x128xf32, #tpu.memory_space<vmem>> -> memref<1x50x128xf32, #tpu.memory_space<vmem>>
    %dma_start3A_179 = tpu.memref_squeeze %dma_start3A_178 : memref<1x50x128xf32, #tpu.memory_space<vmem>> -> memref<50x128xf32, #tpu.memory_space<vmem>>
    %dma_start3A_180 = arith.constant 0 : i32
    %dma_start3A_181 = arith.constant 0 : i32
    %dma_start3A_182 = tpu.memref_slice %arg5[%dma_start3A_167, %dma_start3A_180, %dma_start3A_181] : memref<2x8x50xi32, #tpu.memory_space<vmem>> -> memref<1x8x50xi32, #tpu.memory_space<vmem>>
    %dma_start3A_183 = tpu.memref_squeeze %dma_start3A_182 : memref<1x8x50xi32, #tpu.memory_space<vmem>> -> memref<8x50xi32, #tpu.memory_space<vmem>>
    %dma_start3A_184 = arith.constant 0 : i32
    %dma_start3A_185 = tpu.memref_slice %dma_start3A_183[%dma_start3A_168, %dma_start3A_184] : memref<8x50xi32, #tpu.memory_space<vmem>> -> memref<1x50xi32, #tpu.memory_space<vmem>>
    %dma_start3A_186 = tpu.memref_squeeze %dma_start3A_185 : memref<1x50xi32, #tpu.memory_space<vmem>> -> memref<50xi32, #tpu.memory_space<vmem>>
    %dma_start3A_187 = arith.constant 0 : i32
    %dma_start3A_188 = arith.constant 0 : i32
    %dma_start3A_189 = tpu.memref_slice %arg7[%dma_start3A_187, %dma_start3A_188] : memref<1000x128xf32, #tpu.memory_space<vmem_shared>> -> memref<1000x128xf32, #tpu.memory_space<vmem_shared>>
    tpu.enqueue_indirect_dma source(%dma_start3A_189 : memref<1000x128xf32, #tpu.memory_space<vmem_shared>>) target(%dma_start3A_179 : memref<50x128xf32, #tpu.memory_space<vmem>>) offsets(%dma_start3A_186 : memref<50xi32, #tpu.memory_space<vmem>>) semaphore(%arg8 : memref<!tpu.dma_semaphore, #tpu.memory_space<semaphore_mem>>)
    %scan3A = arith.constant 0 : i32
    %scan3A_190 = arith.constant 32 : i32
    %scan3A_191 = arith.addi %scan3A, %scan3A_190 : i32
    %scan3A_192 = arith.constant 1 : i32
    scf.for %scan3A_227 = %scan3A to %scan3A_191 step %scan3A_192  : i32 {
      %mul3A_228 = arith.constant 1 : i32
      %mul3A_229 = arith.muli %scan3A_227, %mul3A_228 : i32
      %add3A_230 = arith.constant 0 : i32
      %add3A_231 = arith.addi %add3A_230, %mul3A_229 : i32
      %mul3A_232 = arith.constant 2 : i32
      %mul3A_233 = arith.muli %mul3A_232, %add3A_231 : i32
      %add3A_234 = arith.constant 0 : i32
      %add3A_235 = arith.addi %mul3A_233, %add3A_234 : i32
      %add3A_236 = arith.constant 1 : i32
      %add3A_237 = arith.addi %add3A_235, %add3A_236 : i32
      %lt3A = arith.constant 64 : i32
      %lt3A_238 = arith.cmpi slt, %add3A_237, %lt3A : i32
      %convert_element_type3A_239 = arith.extui %lt3A_238 : i1 to i32
      %cond3A_240 = arith.constant 0 : i32
      %cond3A_241 = arith.cmpi ne, %convert_element_type3A_239, %cond3A_240 : i32
      scf.if %cond3A_241 {
        %ge3A = arith.constant 1 : i32
        %ge3A_661 = arith.cmpi sge, %add3A_235, %ge3A : i32
        %convert_element_type3A_662 = arith.extui %ge3A_661 : i1 to i32
        %cond3A_663 = arith.constant 0 : i32
        %cond3A_664 = arith.cmpi ne, %convert_element_type3A_662, %cond3A_663 : i32
        scf.if %cond3A_664 {
          %dma_wait3A_855 = arith.constant 1 : i32
          %dma_wait3A_856 = arith.constant 0 : i32
          %dma_wait3A_857 = arith.constant 0 : i32
          %dma_wait3A_858 = arith.constant 0 : i32
          %dma_wait3A_859 = tpu.memref_slice %arg6[%dma_wait3A_855, %dma_wait3A_856, %dma_wait3A_857, %dma_wait3A_858] : memref<2x8x50x128xf32, #tpu.memory_space<vmem>> -> memref<1x8x50x128xf32, #tpu.memory_space<vmem>>
          %dma_wait3A_860 = tpu.memref_squeeze %dma_wait3A_859 : memref<1x8x50x128xf32, #tpu.memory_space<vmem>> -> memref<8x50x128xf32, #tpu.memory_space<vmem>>
          %dma_wait3A_861 = arith.constant 0 : i32
          %dma_wait3A_862 = arith.constant 0 : i32
          %dma_wait3A_863 = tpu.memref_slice %arg4[%mul3A_2, %dma_wait3A_861, %dma_wait3A_862] : memref<16384x50x128xf32, #tpu.memory_space<hbm>> -> memref<8x50x128xf32, #tpu.memory_space<hbm>>
          %dma_wait3A_864 = arith.constant 0 : i32
          %dma_wait3A_865 = arith.constant 0 : i32
          %dma_wait3A_866 = tpu.memref_slice %arg4[%mul3A_2, %dma_wait3A_864, %dma_wait3A_865] : memref<16384x50x128xf32, #tpu.memory_space<hbm>> -> memref<8x50x128xf32, #tpu.memory_space<hbm>>
          %dma_wait3A_867 = arith.constant 0 : i32
          %dma_wait3A_868 = arith.constant 0 : i32
          %dma_wait3A_869 = arith.constant 0 : i32
          %dma_wait3A_870 = tpu.memref_slice %arg6[%dma_wait3A_855, %dma_wait3A_867, %dma_wait3A_868, %dma_wait3A_869] : memref<2x8x50x128xf32, #tpu.memory_space<vmem>> -> memref<1x8x50x128xf32, #tpu.memory_space<vmem>>
          %dma_wait3A_871 = tpu.memref_squeeze %dma_wait3A_870 : memref<1x8x50x128xf32, #tpu.memory_space<vmem>> -> memref<8x50x128xf32, #tpu.memory_space<vmem>>
          tpu.wait_dma2 semaphore(%arg11 : memref<!tpu.dma_semaphore, #tpu.memory_space<semaphore_mem>>) src(%dma_wait3A_871 : memref<8x50x128xf32, #tpu.memory_space<vmem>>) dst(%dma_wait3A_866 : memref<8x50x128xf32, #tpu.memory_space<hbm>>)
        } else {
        }
        %add3A_665 = arith.constant 1 : i32
        %add3A_666 = arith.addi %add3A_235, %add3A_665 : i32
        %mul3A_667 = arith.constant 8 : i32
        %mul3A_668 = arith.muli %add3A_666, %mul3A_667 : i32
        %add3A_669 = arith.addi %mul3A_2, %mul3A_668 : i32
        %run_scoped3A_670 = arith.constant 1 : i32
        "tpu.region"() ({
          %run_scoped3A_855 = tpu.sem_alloc : memref<!tpu.dma_semaphore, #tpu.memory_space<semaphore_mem>>
          %dma_start3A_856 = arith.constant 0 : i32
          %dma_start3A_857 = arith.constant 0 : i32
          %dma_start3A_858 = tpu.memref_slice %arg5[%run_scoped3A_670, %dma_start3A_856, %dma_start3A_857] : memref<2x8x50xi32, #tpu.memory_space<vmem>> -> memref<1x8x50xi32, #tpu.memory_space<vmem>>
          %dma_start3A_859 = tpu.memref_squeeze %dma_start3A_858 : memref<1x8x50xi32, #tpu.memory_space<vmem>> -> memref<8x50xi32, #tpu.memory_space<vmem>>
          %dma_start3A_860 = arith.constant 0 : i32
          %dma_start3A_861 = tpu.memref_slice %arg2[%add3A_669, %dma_start3A_860] : memref<16384x50xi32, #tpu.memory_space<hbm>> -> memref<8x50xi32, #tpu.memory_space<hbm>>
          %dma_start3A_862 = arith.constant 0 : i32
          %dma_start3A_863 = arith.constant 0 : i32
          %dma_start3A_864 = tpu.memref_slice %arg5[%run_scoped3A_670, %dma_start3A_862, %dma_start3A_863] : memref<2x8x50xi32, #tpu.memory_space<vmem>> -> memref<1x8x50xi32, #tpu.memory_space<vmem>>
          %dma_start3A_865 = tpu.memref_squeeze %dma_start3A_864 : memref<1x8x50xi32, #tpu.memory_space<vmem>> -> memref<8x50xi32, #tpu.memory_space<vmem>>
          %dma_start3A_866 = arith.constant 0 : i32
          %dma_start3A_867 = tpu.memref_slice %arg2[%add3A_669, %dma_start3A_866] : memref<16384x50xi32, #tpu.memory_space<hbm>> -> memref<8x50xi32, #tpu.memory_space<hbm>>
          tpu.enqueue_dma source(%dma_start3A_867 : memref<8x50xi32, #tpu.memory_space<hbm>>) target(%dma_start3A_865 : memref<8x50xi32, #tpu.memory_space<vmem>>) target_semaphore(%run_scoped3A_855 : memref<!tpu.dma_semaphore, #tpu.memory_space<semaphore_mem>>)
          %dma_wait3A_868 = arith.constant 0 : i32
          %dma_wait3A_869 = arith.constant 0 : i32
          %dma_wait3A_870 = tpu.memref_slice %arg5[%run_scoped3A_670, %dma_wait3A_868, %dma_wait3A_869] : memref<2x8x50xi32, #tpu.memory_space<vmem>> -> memref<1x8x50xi32, #tpu.memory_space<vmem>>
          %dma_wait3A_871 = tpu.memref_squeeze %dma_wait3A_870 : memref<1x8x50xi32, #tpu.memory_space<vmem>> -> memref<8x50xi32, #tpu.memory_space<vmem>>
          %dma_wait3A_872 = arith.constant 0 : i32
          %dma_wait3A_873 = tpu.memref_slice %arg2[%add3A_669, %dma_wait3A_872] : memref<16384x50xi32, #tpu.memory_space<hbm>> -> memref<8x50xi32, #tpu.memory_space<hbm>>
          %dma_wait3A_874 = arith.constant 0 : i32
          %dma_wait3A_875 = arith.constant 0 : i32
          %dma_wait3A_876 = tpu.memref_slice %arg5[%run_scoped3A_670, %dma_wait3A_874, %dma_wait3A_875] : memref<2x8x50xi32, #tpu.memory_space<vmem>> -> memref<1x8x50xi32, #tpu.memory_space<vmem>>
          %dma_wait3A_877 = tpu.memref_squeeze %dma_wait3A_876 : memref<1x8x50xi32, #tpu.memory_space<vmem>> -> memref<8x50xi32, #tpu.memory_space<vmem>>
          %dma_wait3A_878 = arith.constant 0 : i32
          %dma_wait3A_879 = tpu.memref_slice %arg2[%add3A_669, %dma_wait3A_878] : memref<16384x50xi32, #tpu.memory_space<hbm>> -> memref<8x50xi32, #tpu.memory_space<hbm>>
          tpu.wait_dma2 semaphore(%run_scoped3A_855 : memref<!tpu.dma_semaphore, #tpu.memory_space<semaphore_mem>>) src(%dma_wait3A_879 : memref<8x50xi32, #tpu.memory_space<hbm>>) dst(%dma_wait3A_877 : memref<8x50xi32, #tpu.memory_space<vmem>>)
          tpu.yield
        }) : () -> ()
        %dma_start3A_671 = arith.constant 1 : i32
        %dma_start3A_672 = arith.constant 0 : i32
        %dma_start3A_673 = arith.constant 1 : i32
        %dma_start3A_674 = arith.constant 0 : i32
        %dma_start3A_675 = arith.constant 0 : i32
        %dma_start3A_676 = arith.constant 0 : i32
        %dma_start3A_677 = arith.constant 0 : i32
        %dma_start3A_678 = tpu.memref_slice %arg6[%dma_start3A_673, %dma_start3A_675, %dma_start3A_676, %dma_start3A_677] : memref<2x8x50x128xf32, #tpu.memory_space<vmem>> -> memref<1x8x50x128xf32, #tpu.memory_space<vmem>>
        %dma_start3A_679 = tpu.memref_squeeze %dma_start3A_678 : memref<1x8x50x128xf32, #tpu.memory_space<vmem>> -> memref<8x50x128xf32, #tpu.memory_space<vmem>>
        %dma_start3A_680 = arith.constant 0 : i32
        %dma_start3A_681 = arith.constant 0 : i32
        %dma_start3A_682 = tpu.memref_slice %dma_start3A_679[%dma_start3A_674, %dma_start3A_680, %dma_start3A_681] : memref<8x50x128xf32, #tpu.memory_space<vmem>> -> memref<1x50x128xf32, #tpu.memory_space<vmem>>
        %dma_start3A_683 = tpu.memref_squeeze %dma_start3A_682 : memref<1x50x128xf32, #tpu.memory_space<vmem>> -> memref<50x128xf32, #tpu.memory_space<vmem>>
        %dma_start3A_684 = arith.constant 0 : i32
        %dma_start3A_685 = arith.constant 0 : i32
        %dma_start3A_686 = tpu.memref_slice %arg5[%dma_start3A_671, %dma_start3A_684, %dma_start3A_685] : memref<2x8x50xi32, #tpu.memory_space<vmem>> -> memref<1x8x50xi32, #tpu.memory_space<vmem>>
        %dma_start3A_687 = tpu.memref_squeeze %dma_start3A_686 : memref<1x8x50xi32, #tpu.memory_space<vmem>> -> memref<8x50xi32, #tpu.memory_space<vmem>>
        %dma_start3A_688 = arith.constant 0 : i32
        %dma_start3A_689 = tpu.memref_slice %dma_start3A_687[%dma_start3A_672, %dma_start3A_688] : memref<8x50xi32, #tpu.memory_space<vmem>> -> memref<1x50xi32, #tpu.memory_space<vmem>>
        %dma_start3A_690 = tpu.memref_squeeze %dma_start3A_689 : memref<1x50xi32, #tpu.memory_space<vmem>> -> memref<50xi32, #tpu.memory_space<vmem>>
        %dma_start3A_691 = arith.constant 0 : i32
        %dma_start3A_692 = arith.constant 0 : i32
        %dma_start3A_693 = tpu.memref_slice %arg7[%dma_start3A_691, %dma_start3A_692] : memref<1000x128xf32, #tpu.memory_space<vmem_shared>> -> memref<1000x128xf32, #tpu.memory_space<vmem_shared>>
        tpu.enqueue_indirect_dma source(%dma_start3A_693 : memref<1000x128xf32, #tpu.memory_space<vmem_shared>>) target(%dma_start3A_683 : memref<50x128xf32, #tpu.memory_space<vmem>>) offsets(%dma_start3A_690 : memref<50xi32, #tpu.memory_space<vmem>>) semaphore(%arg9 : memref<!tpu.dma_semaphore, #tpu.memory_space<semaphore_mem>>)
        %dma_start3A_694 = arith.constant 1 : i32
        %dma_start3A_695 = arith.constant 1 : i32
        %dma_start3A_696 = arith.constant 1 : i32
        %dma_start3A_697 = arith.constant 1 : i32
        %dma_start3A_698 = arith.constant 0 : i32
        %dma_start3A_699 = arith.constant 0 : i32
        %dma_start3A_700 = arith.constant 0 : i32
        %dma_start3A_701 = tpu.memref_slice %arg6[%dma_start3A_696, %dma_start3A_698, %dma_start3A_699, %dma_start3A_700] : memref<2x8x50x128xf32, #tpu.memory_space<vmem>> -> memref<1x8x50x128xf32, #tpu.memory_space<vmem>>
        %dma_start3A_702 = tpu.memref_squeeze %dma_start3A_701 : memref<1x8x50x128xf32, #tpu.memory_space<vmem>> -> memref<8x50x128xf32, #tpu.memory_space<vmem>>
        %dma_start3A_703 = arith.constant 0 : i32
        %dma_start3A_704 = arith.constant 0 : i32
        %dma_start3A_705 = tpu.memref_slice %dma_start3A_702[%dma_start3A_697, %dma_start3A_703, %dma_start3A_704] : memref<8x50x128xf32, #tpu.memory_space<vmem>> -> memref<1x50x128xf32, #tpu.memory_space<vmem>>
        %dma_start3A_706 = tpu.memref_squeeze %dma_start3A_705 : memref<1x50x128xf32, #tpu.memory_space<vmem>> -> memref<50x128xf32, #tpu.memory_space<vmem>>
        %dma_start3A_707 = arith.constant 0 : i32
        %dma_start3A_708 = arith.constant 0 : i32
        %dma_start3A_709 = tpu.memref_slice %arg5[%dma_start3A_694, %dma_start3A_707, %dma_start3A_708] : memref<2x8x50xi32, #tpu.memory_space<vmem>> -> memref<1x8x50xi32, #tpu.memory_space<vmem>>
        %dma_start3A_710 = tpu.memref_squeeze %dma_start3A_709 : memref<1x8x50xi32, #tpu.memory_space<vmem>> -> memref<8x50xi32, #tpu.memory_space<vmem>>
        %dma_start3A_711 = arith.constant 0 : i32
        %dma_start3A_712 = tpu.memref_slice %dma_start3A_710[%dma_start3A_695, %dma_start3A_711] : memref<8x50xi32, #tpu.memory_space<vmem>> -> memref<1x50xi32, #tpu.memory_space<vmem>>
        %dma_start3A_713 = tpu.memref_squeeze %dma_start3A_712 : memref<1x50xi32, #tpu.memory_space<vmem>> -> memref<50xi32, #tpu.memory_space<vmem>>
        %dma_start3A_714 = arith.constant 0 : i32
        %dma_start3A_715 = arith.constant 0 : i32
        %dma_start3A_716 = tpu.memref_slice %arg7[%dma_start3A_714, %dma_start3A_715] : memref<1000x128xf32, #tpu.memory_space<vmem_shared>> -> memref<1000x128xf32, #tpu.memory_space<vmem_shared>>
        tpu.enqueue_indirect_dma source(%dma_start3A_716 : memref<1000x128xf32, #tpu.memory_space<vmem_shared>>) target(%dma_start3A_706 : memref<50x128xf32, #tpu.memory_space<vmem>>) offsets(%dma_start3A_713 : memref<50xi32, #tpu.memory_space<vmem>>) semaphore(%arg9 : memref<!tpu.dma_semaphore, #tpu.memory_space<semaphore_mem>>)
        %dma_start3A_717 = arith.constant 1 : i32
        %dma_start3A_718 = arith.constant 2 : i32
        %dma_start3A_719 = arith.constant 1 : i32
        %dma_start3A_720 = arith.constant 2 : i32
        %dma_start3A_721 = arith.constant 0 : i32
        %dma_start3A_722 = arith.constant 0 : i32
        %dma_start3A_723 = arith.constant 0 : i32
        %dma_start3A_724 = tpu.memref_slice %arg6[%dma_start3A_719, %dma_start3A_721, %dma_start3A_722, %dma_start3A_723] : memref<2x8x50x128xf32, #tpu.memory_space<vmem>> -> memref<1x8x50x128xf32, #tpu.memory_space<vmem>>
        %dma_start3A_725 = tpu.memref_squeeze %dma_start3A_724 : memref<1x8x50x128xf32, #tpu.memory_space<vmem>> -> memref<8x50x128xf32, #tpu.memory_space<vmem>>
        %dma_start3A_726 = arith.constant 0 : i32
        %dma_start3A_727 = arith.constant 0 : i32
        %dma_start3A_728 = tpu.memref_slice %dma_start3A_725[%dma_start3A_720, %dma_start3A_726, %dma_start3A_727] : memref<8x50x128xf32, #tpu.memory_space<vmem>> -> memref<1x50x128xf32, #tpu.memory_space<vmem>>
        %dma_start3A_729 = tpu.memref_squeeze %dma_start3A_728 : memref<1x50x128xf32, #tpu.memory_space<vmem>> -> memref<50x128xf32, #tpu.memory_space<vmem>>
        %dma_start3A_730 = arith.constant 0 : i32
        %dma_start3A_731 = arith.constant 0 : i32
        %dma_start3A_732 = tpu.memref_slice %arg5[%dma_start3A_717, %dma_start3A_730, %dma_start3A_731] : memref<2x8x50xi32, #tpu.memory_space<vmem>> -> memref<1x8x50xi32, #tpu.memory_space<vmem>>
        %dma_start3A_733 = tpu.memref_squeeze %dma_start3A_732 : memref<1x8x50xi32, #tpu.memory_space<vmem>> -> memref<8x50xi32, #tpu.memory_space<vmem>>
        %dma_start3A_734 = arith.constant 0 : i32
        %dma_start3A_735 = tpu.memref_slice %dma_start3A_733[%dma_start3A_718, %dma_start3A_734] : memref<8x50xi32, #tpu.memory_space<vmem>> -> memref<1x50xi32, #tpu.memory_space<vmem>>
        %dma_start3A_736 = tpu.memref_squeeze %dma_start3A_735 : memref<1x50xi32, #tpu.memory_space<vmem>> -> memref<50xi32, #tpu.memory_space<vmem>>
        %dma_start3A_737 = arith.constant 0 : i32
        %dma_start3A_738 = arith.constant 0 : i32
        %dma_start3A_739 = tpu.memref_slice %arg7[%dma_start3A_737, %dma_start3A_738] : memref<1000x128xf32, #tpu.memory_space<vmem_shared>> -> memref<1000x128xf32, #tpu.memory_space<vmem_shared>>
        tpu.enqueue_indirect_dma source(%dma_start3A_739 : memref<1000x128xf32, #tpu.memory_space<vmem_shared>>) target(%dma_start3A_729 : memref<50x128xf32, #tpu.memory_space<vmem>>) offsets(%dma_start3A_736 : memref<50xi32, #tpu.memory_space<vmem>>) semaphore(%arg9 : memref<!tpu.dma_semaphore, #tpu.memory_space<semaphore_mem>>)
        %dma_start3A_740 = arith.constant 1 : i32
        %dma_start3A_741 = arith.constant 3 : i32
        %dma_start3A_742 = arith.constant 1 : i32
        %dma_start3A_743 = arith.constant 3 : i32
        %dma_start3A_744 = arith.constant 0 : i32
        %dma_start3A_745 = arith.constant 0 : i32
        %dma_start3A_746 = arith.constant 0 : i32
        %dma_start3A_747 = tpu.memref_slice %arg6[%dma_start3A_742, %dma_start3A_744, %dma_start3A_745, %dma_start3A_746] : memref<2x8x50x128xf32, #tpu.memory_space<vmem>> -> memref<1x8x50x128xf32, #tpu.memory_space<vmem>>
        %dma_start3A_748 = tpu.memref_squeeze %dma_start3A_747 : memref<1x8x50x128xf32, #tpu.memory_space<vmem>> -> memref<8x50x128xf32, #tpu.memory_space<vmem>>
        %dma_start3A_749 = arith.constant 0 : i32
        %dma_start3A_750 = arith.constant 0 : i32
        %dma_start3A_751 = tpu.memref_slice %dma_start3A_748[%dma_start3A_743, %dma_start3A_749, %dma_start3A_750] : memref<8x50x128xf32, #tpu.memory_space<vmem>> -> memref<1x50x128xf32, #tpu.memory_space<vmem>>
        %dma_start3A_752 = tpu.memref_squeeze %dma_start3A_751 : memref<1x50x128xf32, #tpu.memory_space<vmem>> -> memref<50x128xf32, #tpu.memory_space<vmem>>
        %dma_start3A_753 = arith.constant 0 : i32
        %dma_start3A_754 = arith.constant 0 : i32
        %dma_start3A_755 = tpu.memref_slice %arg5[%dma_start3A_740, %dma_start3A_753, %dma_start3A_754] : memref<2x8x50xi32, #tpu.memory_space<vmem>> -> memref<1x8x50xi32, #tpu.memory_space<vmem>>
        %dma_start3A_756 = tpu.memref_squeeze %dma_start3A_755 : memref<1x8x50xi32, #tpu.memory_space<vmem>> -> memref<8x50xi32, #tpu.memory_space<vmem>>
        %dma_start3A_757 = arith.constant 0 : i32
        %dma_start3A_758 = tpu.memref_slice %dma_start3A_756[%dma_start3A_741, %dma_start3A_757] : memref<8x50xi32, #tpu.memory_space<vmem>> -> memref<1x50xi32, #tpu.memory_space<vmem>>
        %dma_start3A_759 = tpu.memref_squeeze %dma_start3A_758 : memref<1x50xi32, #tpu.memory_space<vmem>> -> memref<50xi32, #tpu.memory_space<vmem>>
        %dma_start3A_760 = arith.constant 0 : i32
        %dma_start3A_761 = arith.constant 0 : i32
        %dma_start3A_762 = tpu.memref_slice %arg7[%dma_start3A_760, %dma_start3A_761] : memref<1000x128xf32, #tpu.memory_space<vmem_shared>> -> memref<1000x128xf32, #tpu.memory_space<vmem_shared>>
        tpu.enqueue_indirect_dma source(%dma_start3A_762 : memref<1000x128xf32, #tpu.memory_space<vmem_shared>>) target(%dma_start3A_752 : memref<50x128xf32, #tpu.memory_space<vmem>>) offsets(%dma_start3A_759 : memref<50xi32, #tpu.memory_space<vmem>>) semaphore(%arg9 : memref<!tpu.dma_semaphore, #tpu.memory_space<semaphore_mem>>)
        %dma_start3A_763 = arith.constant 1 : i32
        %dma_start3A_764 = arith.constant 4 : i32
        %dma_start3A_765 = arith.constant 1 : i32
        %dma_start3A_766 = arith.constant 4 : i32
        %dma_start3A_767 = arith.constant 0 : i32
        %dma_start3A_768 = arith.constant 0 : i32
        %dma_start3A_769 = arith.constant 0 : i32
        %dma_start3A_770 = tpu.memref_slice %arg6[%dma_start3A_765, %dma_start3A_767, %dma_start3A_768, %dma_start3A_769] : memref<2x8x50x128xf32, #tpu.memory_space<vmem>> -> memref<1x8x50x128xf32, #tpu.memory_space<vmem>>
        %dma_start3A_771 = tpu.memref_squeeze %dma_start3A_770 : memref<1x8x50x128xf32, #tpu.memory_space<vmem>> -> memref<8x50x128xf32, #tpu.memory_space<vmem>>
        %dma_start3A_772 = arith.constant 0 : i32
        %dma_start3A_773 = arith.constant 0 : i32
        %dma_start3A_774 = tpu.memref_slice %dma_start3A_771[%dma_start3A_766, %dma_start3A_772, %dma_start3A_773] : memref<8x50x128xf32, #tpu.memory_space<vmem>> -> memref<1x50x128xf32, #tpu.memory_space<vmem>>
        %dma_start3A_775 = tpu.memref_squeeze %dma_start3A_774 : memref<1x50x128xf32, #tpu.memory_space<vmem>> -> memref<50x128xf32, #tpu.memory_space<vmem>>
        %dma_start3A_776 = arith.constant 0 : i32
        %dma_start3A_777 = arith.constant 0 : i32
        %dma_start3A_778 = tpu.memref_slice %arg5[%dma_start3A_763, %dma_start3A_776, %dma_start3A_777] : memref<2x8x50xi32, #tpu.memory_space<vmem>> -> memref<1x8x50xi32, #tpu.memory_space<vmem>>
        %dma_start3A_779 = tpu.memref_squeeze %dma_start3A_778 : memref<1x8x50xi32, #tpu.memory_space<vmem>> -> memref<8x50xi32, #tpu.memory_space<vmem>>
        %dma_start3A_780 = arith.constant 0 : i32
        %dma_start3A_781 = tpu.memref_slice %dma_start3A_779[%dma_start3A_764, %dma_start3A_780] : memref<8x50xi32, #tpu.memory_space<vmem>> -> memref<1x50xi32, #tpu.memory_space<vmem>>
        %dma_start3A_782 = tpu.memref_squeeze %dma_start3A_781 : memref<1x50xi32, #tpu.memory_space<vmem>> -> memref<50xi32, #tpu.memory_space<vmem>>
        %dma_start3A_783 = arith.constant 0 : i32
        %dma_start3A_784 = arith.constant 0 : i32
        %dma_start3A_785 = tpu.memref_slice %arg7[%dma_start3A_783, %dma_start3A_784] : memref<1000x128xf32, #tpu.memory_space<vmem_shared>> -> memref<1000x128xf32, #tpu.memory_space<vmem_shared>>
        tpu.enqueue_indirect_dma source(%dma_start3A_785 : memref<1000x128xf32, #tpu.memory_space<vmem_shared>>) target(%dma_start3A_775 : memref<50x128xf32, #tpu.memory_space<vmem>>) offsets(%dma_start3A_782 : memref<50xi32, #tpu.memory_space<vmem>>) semaphore(%arg9 : memref<!tpu.dma_semaphore, #tpu.memory_space<semaphore_mem>>)
        %dma_start3A_786 = arith.constant 1 : i32
        %dma_start3A_787 = arith.constant 5 : i32
        %dma_start3A_788 = arith.constant 1 : i32
        %dma_start3A_789 = arith.constant 5 : i32
        %dma_start3A_790 = arith.constant 0 : i32
        %dma_start3A_791 = arith.constant 0 : i32
        %dma_start3A_792 = arith.constant 0 : i32
        %dma_start3A_793 = tpu.memref_slice %arg6[%dma_start3A_788, %dma_start3A_790, %dma_start3A_791, %dma_start3A_792] : memref<2x8x50x128xf32, #tpu.memory_space<vmem>> -> memref<1x8x50x128xf32, #tpu.memory_space<vmem>>
        %dma_start3A_794 = tpu.memref_squeeze %dma_start3A_793 : memref<1x8x50x128xf32, #tpu.memory_space<vmem>> -> memref<8x50x128xf32, #tpu.memory_space<vmem>>
        %dma_start3A_795 = arith.constant 0 : i32
        %dma_start3A_796 = arith.constant 0 : i32
        %dma_start3A_797 = tpu.memref_slice %dma_start3A_794[%dma_start3A_789, %dma_start3A_795, %dma_start3A_796] : memref<8x50x128xf32, #tpu.memory_space<vmem>> -> memref<1x50x128xf32, #tpu.memory_space<vmem>>
        %dma_start3A_798 = tpu.memref_squeeze %dma_start3A_797 : memref<1x50x128xf32, #tpu.memory_space<vmem>> -> memref<50x128xf32, #tpu.memory_space<vmem>>
        %dma_start3A_799 = arith.constant 0 : i32
        %dma_start3A_800 = arith.constant 0 : i32
        %dma_start3A_801 = tpu.memref_slice %arg5[%dma_start3A_786, %dma_start3A_799, %dma_start3A_800] : memref<2x8x50xi32, #tpu.memory_space<vmem>> -> memref<1x8x50xi32, #tpu.memory_space<vmem>>
        %dma_start3A_802 = tpu.memref_squeeze %dma_start3A_801 : memref<1x8x50xi32, #tpu.memory_space<vmem>> -> memref<8x50xi32, #tpu.memory_space<vmem>>
        %dma_start3A_803 = arith.constant 0 : i32
        %dma_start3A_804 = tpu.memref_slice %dma_start3A_802[%dma_start3A_787, %dma_start3A_803] : memref<8x50xi32, #tpu.memory_space<vmem>> -> memref<1x50xi32, #tpu.memory_space<vmem>>
        %dma_start3A_805 = tpu.memref_squeeze %dma_start3A_804 : memref<1x50xi32, #tpu.memory_space<vmem>> -> memref<50xi32, #tpu.memory_space<vmem>>
        %dma_start3A_806 = arith.constant 0 : i32
        %dma_start3A_807 = arith.constant 0 : i32
        %dma_start3A_808 = tpu.memref_slice %arg7[%dma_start3A_806, %dma_start3A_807] : memref<1000x128xf32, #tpu.memory_space<vmem_shared>> -> memref<1000x128xf32, #tpu.memory_space<vmem_shared>>
        tpu.enqueue_indirect_dma source(%dma_start3A_808 : memref<1000x128xf32, #tpu.memory_space<vmem_shared>>) target(%dma_start3A_798 : memref<50x128xf32, #tpu.memory_space<vmem>>) offsets(%dma_start3A_805 : memref<50xi32, #tpu.memory_space<vmem>>) semaphore(%arg9 : memref<!tpu.dma_semaphore, #tpu.memory_space<semaphore_mem>>)
        %dma_start3A_809 = arith.constant 1 : i32
        %dma_start3A_810 = arith.constant 6 : i32
        %dma_start3A_811 = arith.constant 1 : i32
        %dma_start3A_812 = arith.constant 6 : i32
        %dma_start3A_813 = arith.constant 0 : i32
        %dma_start3A_814 = arith.constant 0 : i32
        %dma_start3A_815 = arith.constant 0 : i32
        %dma_start3A_816 = tpu.memref_slice %arg6[%dma_start3A_811, %dma_start3A_813, %dma_start3A_814, %dma_start3A_815] : memref<2x8x50x128xf32, #tpu.memory_space<vmem>> -> memref<1x8x50x128xf32, #tpu.memory_space<vmem>>
        %dma_start3A_817 = tpu.memref_squeeze %dma_start3A_816 : memref<1x8x50x128xf32, #tpu.memory_space<vmem>> -> memref<8x50x128xf32, #tpu.memory_space<vmem>>
        %dma_start3A_818 = arith.constant 0 : i32
        %dma_start3A_819 = arith.constant 0 : i32
        %dma_start3A_820 = tpu.memref_slice %dma_start3A_817[%dma_start3A_812, %dma_start3A_818, %dma_start3A_819] : memref<8x50x128xf32, #tpu.memory_space<vmem>> -> memref<1x50x128xf32, #tpu.memory_space<vmem>>
        %dma_start3A_821 = tpu.memref_squeeze %dma_start3A_820 : memref<1x50x128xf32, #tpu.memory_space<vmem>> -> memref<50x128xf32, #tpu.memory_space<vmem>>
        %dma_start3A_822 = arith.constant 0 : i32
        %dma_start3A_823 = arith.constant 0 : i32
        %dma_start3A_824 = tpu.memref_slice %arg5[%dma_start3A_809, %dma_start3A_822, %dma_start3A_823] : memref<2x8x50xi32, #tpu.memory_space<vmem>> -> memref<1x8x50xi32, #tpu.memory_space<vmem>>
        %dma_start3A_825 = tpu.memref_squeeze %dma_start3A_824 : memref<1x8x50xi32, #tpu.memory_space<vmem>> -> memref<8x50xi32, #tpu.memory_space<vmem>>
        %dma_start3A_826 = arith.constant 0 : i32
        %dma_start3A_827 = tpu.memref_slice %dma_start3A_825[%dma_start3A_810, %dma_start3A_826] : memref<8x50xi32, #tpu.memory_space<vmem>> -> memref<1x50xi32, #tpu.memory_space<vmem>>
        %dma_start3A_828 = tpu.memref_squeeze %dma_start3A_827 : memref<1x50xi32, #tpu.memory_space<vmem>> -> memref<50xi32, #tpu.memory_space<vmem>>
        %dma_start3A_829 = arith.constant 0 : i32
        %dma_start3A_830 = arith.constant 0 : i32
        %dma_start3A_831 = tpu.memref_slice %arg7[%dma_start3A_829, %dma_start3A_830] : memref<1000x128xf32, #tpu.memory_space<vmem_shared>> -> memref<1000x128xf32, #tpu.memory_space<vmem_shared>>
        tpu.enqueue_indirect_dma source(%dma_start3A_831 : memref<1000x128xf32, #tpu.memory_space<vmem_shared>>) target(%dma_start3A_821 : memref<50x128xf32, #tpu.memory_space<vmem>>) offsets(%dma_start3A_828 : memref<50xi32, #tpu.memory_space<vmem>>) semaphore(%arg9 : memref<!tpu.dma_semaphore, #tpu.memory_space<semaphore_mem>>)
        %dma_start3A_832 = arith.constant 1 : i32
        %dma_start3A_833 = arith.constant 7 : i32
        %dma_start3A_834 = arith.constant 1 : i32
        %dma_start3A_835 = arith.constant 7 : i32
        %dma_start3A_836 = arith.constant 0 : i32
        %dma_start3A_837 = arith.constant 0 : i32
        %dma_start3A_838 = arith.constant 0 : i32
        %dma_start3A_839 = tpu.memref_slice %arg6[%dma_start3A_834, %dma_start3A_836, %dma_start3A_837, %dma_start3A_838] : memref<2x8x50x128xf32, #tpu.memory_space<vmem>> -> memref<1x8x50x128xf32, #tpu.memory_space<vmem>>
        %dma_start3A_840 = tpu.memref_squeeze %dma_start3A_839 : memref<1x8x50x128xf32, #tpu.memory_space<vmem>> -> memref<8x50x128xf32, #tpu.memory_space<vmem>>
        %dma_start3A_841 = arith.constant 0 : i32
        %dma_start3A_842 = arith.constant 0 : i32
        %dma_start3A_843 = tpu.memref_slice %dma_start3A_840[%dma_start3A_835, %dma_start3A_841, %dma_start3A_842] : memref<8x50x128xf32, #tpu.memory_space<vmem>> -> memref<1x50x128xf32, #tpu.memory_space<vmem>>
        %dma_start3A_844 = tpu.memref_squeeze %dma_start3A_843 : memref<1x50x128xf32, #tpu.memory_space<vmem>> -> memref<50x128xf32, #tpu.memory_space<vmem>>
        %dma_start3A_845 = arith.constant 0 : i32
        %dma_start3A_846 = arith.constant 0 : i32
        %dma_start3A_847 = tpu.memref_slice %arg5[%dma_start3A_832, %dma_start3A_845, %dma_start3A_846] : memref<2x8x50xi32, #tpu.memory_space<vmem>> -> memref<1x8x50xi32, #tpu.memory_space<vmem>>
        %dma_start3A_848 = tpu.memref_squeeze %dma_start3A_847 : memref<1x8x50xi32, #tpu.memory_space<vmem>> -> memref<8x50xi32, #tpu.memory_space<vmem>>
        %dma_start3A_849 = arith.constant 0 : i32
        %dma_start3A_850 = tpu.memref_slice %dma_start3A_848[%dma_start3A_833, %dma_start3A_849] : memref<8x50xi32, #tpu.memory_space<vmem>> -> memref<1x50xi32, #tpu.memory_space<vmem>>
        %dma_start3A_851 = tpu.memref_squeeze %dma_start3A_850 : memref<1x50xi32, #tpu.memory_space<vmem>> -> memref<50xi32, #tpu.memory_space<vmem>>
        %dma_start3A_852 = arith.constant 0 : i32
        %dma_start3A_853 = arith.constant 0 : i32
        %dma_start3A_854 = tpu.memref_slice %arg7[%dma_start3A_852, %dma_start3A_853] : memref<1000x128xf32, #tpu.memory_space<vmem_shared>> -> memref<1000x128xf32, #tpu.memory_space<vmem_shared>>
        tpu.enqueue_indirect_dma source(%dma_start3A_854 : memref<1000x128xf32, #tpu.memory_space<vmem_shared>>) target(%dma_start3A_844 : memref<50x128xf32, #tpu.memory_space<vmem>>) offsets(%dma_start3A_851 : memref<50xi32, #tpu.memory_space<vmem>>) semaphore(%arg9 : memref<!tpu.dma_semaphore, #tpu.memory_space<semaphore_mem>>)
      } else {
      }
      %dma_wait3A_242 = arith.constant 0 : i32
      %dma_wait3A_243 = arith.constant 0 : i32
      %dma_wait3A_244 = arith.constant 0 : i32
      %dma_wait3A_245 = arith.constant 0 : i32
      %dma_wait3A_246 = arith.constant 0 : i32
      %dma_wait3A_247 = arith.constant 0 : i32
      %dma_wait3A_248 = arith.constant 0 : i32
      %dma_wait3A_249 = tpu.memref_slice %arg6[%dma_wait3A_244, %dma_wait3A_246, %dma_wait3A_247, %dma_wait3A_248] : memref<2x8x50x128xf32, #tpu.memory_space<vmem>> -> memref<1x8x50x128xf32, #tpu.memory_space<vmem>>
      %dma_wait3A_250 = tpu.memref_squeeze %dma_wait3A_249 : memref<1x8x50x128xf32, #tpu.memory_space<vmem>> -> memref<8x50x128xf32, #tpu.memory_space<vmem>>
      %dma_wait3A_251 = arith.constant 0 : i32
      %dma_wait3A_252 = arith.constant 0 : i32
      %dma_wait3A_253 = tpu.memref_slice %dma_wait3A_250[%dma_wait3A_245, %dma_wait3A_251, %dma_wait3A_252] : memref<8x50x128xf32, #tpu.memory_space<vmem>> -> memref<1x50x128xf32, #tpu.memory_space<vmem>>
      %dma_wait3A_254 = tpu.memref_squeeze %dma_wait3A_253 : memref<1x50x128xf32, #tpu.memory_space<vmem>> -> memref<50x128xf32, #tpu.memory_space<vmem>>
      %dma_wait3A_255 = arith.constant 0 : i32
      %dma_wait3A_256 = arith.constant 0 : i32
      %dma_wait3A_257 = tpu.memref_slice %arg5[%dma_wait3A_242, %dma_wait3A_255, %dma_wait3A_256] : memref<2x8x50xi32, #tpu.memory_space<vmem>> -> memref<1x8x50xi32, #tpu.memory_space<vmem>>
      %dma_wait3A_258 = tpu.memref_squeeze %dma_wait3A_257 : memref<1x8x50xi32, #tpu.memory_space<vmem>> -> memref<8x50xi32, #tpu.memory_space<vmem>>
      %dma_wait3A_259 = arith.constant 0 : i32
      %dma_wait3A_260 = tpu.memref_slice %dma_wait3A_258[%dma_wait3A_243, %dma_wait3A_259] : memref<8x50xi32, #tpu.memory_space<vmem>> -> memref<1x50xi32, #tpu.memory_space<vmem>>
      %dma_wait3A_261 = tpu.memref_squeeze %dma_wait3A_260 : memref<1x50xi32, #tpu.memory_space<vmem>> -> memref<50xi32, #tpu.memory_space<vmem>>
      %dma_wait3A_262 = arith.constant 0 : i32
      %dma_wait3A_263 = arith.constant 0 : i32
      %dma_wait3A_264 = tpu.memref_slice %arg7[%dma_wait3A_262, %dma_wait3A_263] : memref<1000x128xf32, #tpu.memory_space<vmem_shared>> -> memref<1000x128xf32, #tpu.memory_space<vmem_shared>>
      tpu.wait_indirect_dma semaphore(%arg8 : memref<!tpu.dma_semaphore, #tpu.memory_space<semaphore_mem>>) src(%dma_wait3A_264 : memref<1000x128xf32, #tpu.memory_space<vmem_shared>>) dst(%dma_wait3A_254 : memref<50x128xf32, #tpu.memory_space<vmem>>)
      %dma_wait3A_265 = arith.constant 0 : i32
      %dma_wait3A_266 = arith.constant 1 : i32
      %dma_wait3A_267 = arith.constant 0 : i32
      %dma_wait3A_268 = arith.constant 1 : i32
      %dma_wait3A_269 = arith.constant 0 : i32
      %dma_wait3A_270 = arith.constant 0 : i32
      %dma_wait3A_271 = arith.constant 0 : i32
      %dma_wait3A_272 = tpu.memref_slice %arg6[%dma_wait3A_267, %dma_wait3A_269, %dma_wait3A_270, %dma_wait3A_271] : memref<2x8x50x128xf32, #tpu.memory_space<vmem>> -> memref<1x8x50x128xf32, #tpu.memory_space<vmem>>
      %dma_wait3A_273 = tpu.memref_squeeze %dma_wait3A_272 : memref<1x8x50x128xf32, #tpu.memory_space<vmem>> -> memref<8x50x128xf32, #tpu.memory_space<vmem>>
      %dma_wait3A_274 = arith.constant 0 : i32
      %dma_wait3A_275 = arith.constant 0 : i32
      %dma_wait3A_276 = tpu.memref_slice %dma_wait3A_273[%dma_wait3A_268, %dma_wait3A_274, %dma_wait3A_275] : memref<8x50x128xf32, #tpu.memory_space<vmem>> -> memref<1x50x128xf32, #tpu.memory_space<vmem>>
      %dma_wait3A_277 = tpu.memref_squeeze %dma_wait3A_276 : memref<1x50x128xf32, #tpu.memory_space<vmem>> -> memref<50x128xf32, #tpu.memory_space<vmem>>
      %dma_wait3A_278 = arith.constant 0 : i32
      %dma_wait3A_279 = arith.constant 0 : i32
      %dma_wait3A_280 = tpu.memref_slice %arg5[%dma_wait3A_265, %dma_wait3A_278, %dma_wait3A_279] : memref<2x8x50xi32, #tpu.memory_space<vmem>> -> memref<1x8x50xi32, #tpu.memory_space<vmem>>
      %dma_wait3A_281 = tpu.memref_squeeze %dma_wait3A_280 : memref<1x8x50xi32, #tpu.memory_space<vmem>> -> memref<8x50xi32, #tpu.memory_space<vmem>>
      %dma_wait3A_282 = arith.constant 0 : i32
      %dma_wait3A_283 = tpu.memref_slice %dma_wait3A_281[%dma_wait3A_266, %dma_wait3A_282] : memref<8x50xi32, #tpu.memory_space<vmem>> -> memref<1x50xi32, #tpu.memory_space<vmem>>
      %dma_wait3A_284 = tpu.memref_squeeze %dma_wait3A_283 : memref<1x50xi32, #tpu.memory_space<vmem>> -> memref<50xi32, #tpu.memory_space<vmem>>
      %dma_wait3A_285 = arith.constant 0 : i32
      %dma_wait3A_286 = arith.constant 0 : i32
      %dma_wait3A_287 = tpu.memref_slice %arg7[%dma_wait3A_285, %dma_wait3A_286] : memref<1000x128xf32, #tpu.memory_space<vmem_shared>> -> memref<1000x128xf32, #tpu.memory_space<vmem_shared>>
      tpu.wait_indirect_dma semaphore(%arg8 : memref<!tpu.dma_semaphore, #tpu.memory_space<semaphore_mem>>) src(%dma_wait3A_287 : memref<1000x128xf32, #tpu.memory_space<vmem_shared>>) dst(%dma_wait3A_277 : memref<50x128xf32, #tpu.memory_space<vmem>>)
      %dma_wait3A_288 = arith.constant 0 : i32
      %dma_wait3A_289 = arith.constant 2 : i32
      %dma_wait3A_290 = arith.constant 0 : i32
      %dma_wait3A_291 = arith.constant 2 : i32
      %dma_wait3A_292 = arith.constant 0 : i32
      %dma_wait3A_293 = arith.constant 0 : i32
      %dma_wait3A_294 = arith.constant 0 : i32
      %dma_wait3A_295 = tpu.memref_slice %arg6[%dma_wait3A_290, %dma_wait3A_292, %dma_wait3A_293, %dma_wait3A_294] : memref<2x8x50x128xf32, #tpu.memory_space<vmem>> -> memref<1x8x50x128xf32, #tpu.memory_space<vmem>>
      %dma_wait3A_296 = tpu.memref_squeeze %dma_wait3A_295 : memref<1x8x50x128xf32, #tpu.memory_space<vmem>> -> memref<8x50x128xf32, #tpu.memory_space<vmem>>
      %dma_wait3A_297 = arith.constant 0 : i32
      %dma_wait3A_298 = arith.constant 0 : i32
      %dma_wait3A_299 = tpu.memref_slice %dma_wait3A_296[%dma_wait3A_291, %dma_wait3A_297, %dma_wait3A_298] : memref<8x50x128xf32, #tpu.memory_space<vmem>> -> memref<1x50x128xf32, #tpu.memory_space<vmem>>
      %dma_wait3A_300 = tpu.memref_squeeze %dma_wait3A_299 : memref<1x50x128xf32, #tpu.memory_space<vmem>> -> memref<50x128xf32, #tpu.memory_space<vmem>>
      %dma_wait3A_301 = arith.constant 0 : i32
      %dma_wait3A_302 = arith.constant 0 : i32
      %dma_wait3A_303 = tpu.memref_slice %arg5[%dma_wait3A_288, %dma_wait3A_301, %dma_wait3A_302] : memref<2x8x50xi32, #tpu.memory_space<vmem>> -> memref<1x8x50xi32, #tpu.memory_space<vmem>>
      %dma_wait3A_304 = tpu.memref_squeeze %dma_wait3A_303 : memref<1x8x50xi32, #tpu.memory_space<vmem>> -> memref<8x50xi32, #tpu.memory_space<vmem>>
      %dma_wait3A_305 = arith.constant 0 : i32
      %dma_wait3A_306 = tpu.memref_slice %dma_wait3A_304[%dma_wait3A_289, %dma_wait3A_305] : memref<8x50xi32, #tpu.memory_space<vmem>> -> memref<1x50xi32, #tpu.memory_space<vmem>>
      %dma_wait3A_307 = tpu.memref_squeeze %dma_wait3A_306 : memref<1x50xi32, #tpu.memory_space<vmem>> -> memref<50xi32, #tpu.memory_space<vmem>>
      %dma_wait3A_308 = arith.constant 0 : i32
      %dma_wait3A_309 = arith.constant 0 : i32
      %dma_wait3A_310 = tpu.memref_slice %arg7[%dma_wait3A_308, %dma_wait3A_309] : memref<1000x128xf32, #tpu.memory_space<vmem_shared>> -> memref<1000x128xf32, #tpu.memory_space<vmem_shared>>
      tpu.wait_indirect_dma semaphore(%arg8 : memref<!tpu.dma_semaphore, #tpu.memory_space<semaphore_mem>>) src(%dma_wait3A_310 : memref<1000x128xf32, #tpu.memory_space<vmem_shared>>) dst(%dma_wait3A_300 : memref<50x128xf32, #tpu.memory_space<vmem>>)
      %dma_wait3A_311 = arith.constant 0 : i32
      %dma_wait3A_312 = arith.constant 3 : i32
      %dma_wait3A_313 = arith.constant 0 : i32
      %dma_wait3A_314 = arith.constant 3 : i32
      %dma_wait3A_315 = arith.constant 0 : i32
      %dma_wait3A_316 = arith.constant 0 : i32
      %dma_wait3A_317 = arith.constant 0 : i32
      %dma_wait3A_318 = tpu.memref_slice %arg6[%dma_wait3A_313, %dma_wait3A_315, %dma_wait3A_316, %dma_wait3A_317] : memref<2x8x50x128xf32, #tpu.memory_space<vmem>> -> memref<1x8x50x128xf32, #tpu.memory_space<vmem>>
      %dma_wait3A_319 = tpu.memref_squeeze %dma_wait3A_318 : memref<1x8x50x128xf32, #tpu.memory_space<vmem>> -> memref<8x50x128xf32, #tpu.memory_space<vmem>>
      %dma_wait3A_320 = arith.constant 0 : i32
      %dma_wait3A_321 = arith.constant 0 : i32
      %dma_wait3A_322 = tpu.memref_slice %dma_wait3A_319[%dma_wait3A_314, %dma_wait3A_320, %dma_wait3A_321] : memref<8x50x128xf32, #tpu.memory_space<vmem>> -> memref<1x50x128xf32, #tpu.memory_space<vmem>>
      %dma_wait3A_323 = tpu.memref_squeeze %dma_wait3A_322 : memref<1x50x128xf32, #tpu.memory_space<vmem>> -> memref<50x128xf32, #tpu.memory_space<vmem>>
      %dma_wait3A_324 = arith.constant 0 : i32
      %dma_wait3A_325 = arith.constant 0 : i32
      %dma_wait3A_326 = tpu.memref_slice %arg5[%dma_wait3A_311, %dma_wait3A_324, %dma_wait3A_325] : memref<2x8x50xi32, #tpu.memory_space<vmem>> -> memref<1x8x50xi32, #tpu.memory_space<vmem>>
      %dma_wait3A_327 = tpu.memref_squeeze %dma_wait3A_326 : memref<1x8x50xi32, #tpu.memory_space<vmem>> -> memref<8x50xi32, #tpu.memory_space<vmem>>
      %dma_wait3A_328 = arith.constant 0 : i32
      %dma_wait3A_329 = tpu.memref_slice %dma_wait3A_327[%dma_wait3A_312, %dma_wait3A_328] : memref<8x50xi32, #tpu.memory_space<vmem>> -> memref<1x50xi32, #tpu.memory_space<vmem>>
      %dma_wait3A_330 = tpu.memref_squeeze %dma_wait3A_329 : memref<1x50xi32, #tpu.memory_space<vmem>> -> memref<50xi32, #tpu.memory_space<vmem>>
      %dma_wait3A_331 = arith.constant 0 : i32
      %dma_wait3A_332 = arith.constant 0 : i32
      %dma_wait3A_333 = tpu.memref_slice %arg7[%dma_wait3A_331, %dma_wait3A_332] : memref<1000x128xf32, #tpu.memory_space<vmem_shared>> -> memref<1000x128xf32, #tpu.memory_space<vmem_shared>>
      tpu.wait_indirect_dma semaphore(%arg8 : memref<!tpu.dma_semaphore, #tpu.memory_space<semaphore_mem>>) src(%dma_wait3A_333 : memref<1000x128xf32, #tpu.memory_space<vmem_shared>>) dst(%dma_wait3A_323 : memref<50x128xf32, #tpu.memory_space<vmem>>)
      %dma_wait3A_334 = arith.constant 0 : i32
      %dma_wait3A_335 = arith.constant 4 : i32
      %dma_wait3A_336 = arith.constant 0 : i32
      %dma_wait3A_337 = arith.constant 4 : i32
      %dma_wait3A_338 = arith.constant 0 : i32
      %dma_wait3A_339 = arith.constant 0 : i32
      %dma_wait3A_340 = arith.constant 0 : i32
      %dma_wait3A_341 = tpu.memref_slice %arg6[%dma_wait3A_336, %dma_wait3A_338, %dma_wait3A_339, %dma_wait3A_340] : memref<2x8x50x128xf32, #tpu.memory_space<vmem>> -> memref<1x8x50x128xf32, #tpu.memory_space<vmem>>
      %dma_wait3A_342 = tpu.memref_squeeze %dma_wait3A_341 : memref<1x8x50x128xf32, #tpu.memory_space<vmem>> -> memref<8x50x128xf32, #tpu.memory_space<vmem>>
      %dma_wait3A_343 = arith.constant 0 : i32
      %dma_wait3A_344 = arith.constant 0 : i32
      %dma_wait3A_345 = tpu.memref_slice %dma_wait3A_342[%dma_wait3A_337, %dma_wait3A_343, %dma_wait3A_344] : memref<8x50x128xf32, #tpu.memory_space<vmem>> -> memref<1x50x128xf32, #tpu.memory_space<vmem>>
      %dma_wait3A_346 = tpu.memref_squeeze %dma_wait3A_345 : memref<1x50x128xf32, #tpu.memory_space<vmem>> -> memref<50x128xf32, #tpu.memory_space<vmem>>
      %dma_wait3A_347 = arith.constant 0 : i32
      %dma_wait3A_348 = arith.constant 0 : i32
      %dma_wait3A_349 = tpu.memref_slice %arg5[%dma_wait3A_334, %dma_wait3A_347, %dma_wait3A_348] : memref<2x8x50xi32, #tpu.memory_space<vmem>> -> memref<1x8x50xi32, #tpu.memory_space<vmem>>
      %dma_wait3A_350 = tpu.memref_squeeze %dma_wait3A_349 : memref<1x8x50xi32, #tpu.memory_space<vmem>> -> memref<8x50xi32, #tpu.memory_space<vmem>>
      %dma_wait3A_351 = arith.constant 0 : i32
      %dma_wait3A_352 = tpu.memref_slice %dma_wait3A_350[%dma_wait3A_335, %dma_wait3A_351] : memref<8x50xi32, #tpu.memory_space<vmem>> -> memref<1x50xi32, #tpu.memory_space<vmem>>
      %dma_wait3A_353 = tpu.memref_squeeze %dma_wait3A_352 : memref<1x50xi32, #tpu.memory_space<vmem>> -> memref<50xi32, #tpu.memory_space<vmem>>
      %dma_wait3A_354 = arith.constant 0 : i32
      %dma_wait3A_355 = arith.constant 0 : i32
      %dma_wait3A_356 = tpu.memref_slice %arg7[%dma_wait3A_354, %dma_wait3A_355] : memref<1000x128xf32, #tpu.memory_space<vmem_shared>> -> memref<1000x128xf32, #tpu.memory_space<vmem_shared>>
      tpu.wait_indirect_dma semaphore(%arg8 : memref<!tpu.dma_semaphore, #tpu.memory_space<semaphore_mem>>) src(%dma_wait3A_356 : memref<1000x128xf32, #tpu.memory_space<vmem_shared>>) dst(%dma_wait3A_346 : memref<50x128xf32, #tpu.memory_space<vmem>>)
      %dma_wait3A_357 = arith.constant 0 : i32
      %dma_wait3A_358 = arith.constant 5 : i32
      %dma_wait3A_359 = arith.constant 0 : i32
      %dma_wait3A_360 = arith.constant 5 : i32
      %dma_wait3A_361 = arith.constant 0 : i32
      %dma_wait3A_362 = arith.constant 0 : i32
      %dma_wait3A_363 = arith.constant 0 : i32
      %dma_wait3A_364 = tpu.memref_slice %arg6[%dma_wait3A_359, %dma_wait3A_361, %dma_wait3A_362, %dma_wait3A_363] : memref<2x8x50x128xf32, #tpu.memory_space<vmem>> -> memref<1x8x50x128xf32, #tpu.memory_space<vmem>>
      %dma_wait3A_365 = tpu.memref_squeeze %dma_wait3A_364 : memref<1x8x50x128xf32, #tpu.memory_space<vmem>> -> memref<8x50x128xf32, #tpu.memory_space<vmem>>
      %dma_wait3A_366 = arith.constant 0 : i32
      %dma_wait3A_367 = arith.constant 0 : i32
      %dma_wait3A_368 = tpu.memref_slice %dma_wait3A_365[%dma_wait3A_360, %dma_wait3A_366, %dma_wait3A_367] : memref<8x50x128xf32, #tpu.memory_space<vmem>> -> memref<1x50x128xf32, #tpu.memory_space<vmem>>
      %dma_wait3A_369 = tpu.memref_squeeze %dma_wait3A_368 : memref<1x50x128xf32, #tpu.memory_space<vmem>> -> memref<50x128xf32, #tpu.memory_space<vmem>>
      %dma_wait3A_370 = arith.constant 0 : i32
      %dma_wait3A_371 = arith.constant 0 : i32
      %dma_wait3A_372 = tpu.memref_slice %arg5[%dma_wait3A_357, %dma_wait3A_370, %dma_wait3A_371] : memref<2x8x50xi32, #tpu.memory_space<vmem>> -> memref<1x8x50xi32, #tpu.memory_space<vmem>>
      %dma_wait3A_373 = tpu.memref_squeeze %dma_wait3A_372 : memref<1x8x50xi32, #tpu.memory_space<vmem>> -> memref<8x50xi32, #tpu.memory_space<vmem>>
      %dma_wait3A_374 = arith.constant 0 : i32
      %dma_wait3A_375 = tpu.memref_slice %dma_wait3A_373[%dma_wait3A_358, %dma_wait3A_374] : memref<8x50xi32, #tpu.memory_space<vmem>> -> memref<1x50xi32, #tpu.memory_space<vmem>>
      %dma_wait3A_376 = tpu.memref_squeeze %dma_wait3A_375 : memref<1x50xi32, #tpu.memory_space<vmem>> -> memref<50xi32, #tpu.memory_space<vmem>>
      %dma_wait3A_377 = arith.constant 0 : i32
      %dma_wait3A_378 = arith.constant 0 : i32
      %dma_wait3A_379 = tpu.memref_slice %arg7[%dma_wait3A_377, %dma_wait3A_378] : memref<1000x128xf32, #tpu.memory_space<vmem_shared>> -> memref<1000x128xf32, #tpu.memory_space<vmem_shared>>
      tpu.wait_indirect_dma semaphore(%arg8 : memref<!tpu.dma_semaphore, #tpu.memory_space<semaphore_mem>>) src(%dma_wait3A_379 : memref<1000x128xf32, #tpu.memory_space<vmem_shared>>) dst(%dma_wait3A_369 : memref<50x128xf32, #tpu.memory_space<vmem>>)
      %dma_wait3A_380 = arith.constant 0 : i32
      %dma_wait3A_381 = arith.constant 6 : i32
      %dma_wait3A_382 = arith.constant 0 : i32
      %dma_wait3A_383 = arith.constant 6 : i32
      %dma_wait3A_384 = arith.constant 0 : i32
      %dma_wait3A_385 = arith.constant 0 : i32
      %dma_wait3A_386 = arith.constant 0 : i32
      %dma_wait3A_387 = tpu.memref_slice %arg6[%dma_wait3A_382, %dma_wait3A_384, %dma_wait3A_385, %dma_wait3A_386] : memref<2x8x50x128xf32, #tpu.memory_space<vmem>> -> memref<1x8x50x128xf32, #tpu.memory_space<vmem>>
      %dma_wait3A_388 = tpu.memref_squeeze %dma_wait3A_387 : memref<1x8x50x128xf32, #tpu.memory_space<vmem>> -> memref<8x50x128xf32, #tpu.memory_space<vmem>>
      %dma_wait3A_389 = arith.constant 0 : i32
      %dma_wait3A_390 = arith.constant 0 : i32
      %dma_wait3A_391 = tpu.memref_slice %dma_wait3A_388[%dma_wait3A_383, %dma_wait3A_389, %dma_wait3A_390] : memref<8x50x128xf32, #tpu.memory_space<vmem>> -> memref<1x50x128xf32, #tpu.memory_space<vmem>>
      %dma_wait3A_392 = tpu.memref_squeeze %dma_wait3A_391 : memref<1x50x128xf32, #tpu.memory_space<vmem>> -> memref<50x128xf32, #tpu.memory_space<vmem>>
      %dma_wait3A_393 = arith.constant 0 : i32
      %dma_wait3A_394 = arith.constant 0 : i32
      %dma_wait3A_395 = tpu.memref_slice %arg5[%dma_wait3A_380, %dma_wait3A_393, %dma_wait3A_394] : memref<2x8x50xi32, #tpu.memory_space<vmem>> -> memref<1x8x50xi32, #tpu.memory_space<vmem>>
      %dma_wait3A_396 = tpu.memref_squeeze %dma_wait3A_395 : memref<1x8x50xi32, #tpu.memory_space<vmem>> -> memref<8x50xi32, #tpu.memory_space<vmem>>
      %dma_wait3A_397 = arith.constant 0 : i32
      %dma_wait3A_398 = tpu.memref_slice %dma_wait3A_396[%dma_wait3A_381, %dma_wait3A_397] : memref<8x50xi32, #tpu.memory_space<vmem>> -> memref<1x50xi32, #tpu.memory_space<vmem>>
      %dma_wait3A_399 = tpu.memref_squeeze %dma_wait3A_398 : memref<1x50xi32, #tpu.memory_space<vmem>> -> memref<50xi32, #tpu.memory_space<vmem>>
      %dma_wait3A_400 = arith.constant 0 : i32
      %dma_wait3A_401 = arith.constant 0 : i32
      %dma_wait3A_402 = tpu.memref_slice %arg7[%dma_wait3A_400, %dma_wait3A_401] : memref<1000x128xf32, #tpu.memory_space<vmem_shared>> -> memref<1000x128xf32, #tpu.memory_space<vmem_shared>>
      tpu.wait_indirect_dma semaphore(%arg8 : memref<!tpu.dma_semaphore, #tpu.memory_space<semaphore_mem>>) src(%dma_wait3A_402 : memref<1000x128xf32, #tpu.memory_space<vmem_shared>>) dst(%dma_wait3A_392 : memref<50x128xf32, #tpu.memory_space<vmem>>)
      %dma_wait3A_403 = arith.constant 0 : i32
      %dma_wait3A_404 = arith.constant 7 : i32
      %dma_wait3A_405 = arith.constant 0 : i32
      %dma_wait3A_406 = arith.constant 7 : i32
      %dma_wait3A_407 = arith.constant 0 : i32
      %dma_wait3A_408 = arith.constant 0 : i32
      %dma_wait3A_409 = arith.constant 0 : i32
      %dma_wait3A_410 = tpu.memref_slice %arg6[%dma_wait3A_405, %dma_wait3A_407, %dma_wait3A_408, %dma_wait3A_409] : memref<2x8x50x128xf32, #tpu.memory_space<vmem>> -> memref<1x8x50x128xf32, #tpu.memory_space<vmem>>
      %dma_wait3A_411 = tpu.memref_squeeze %dma_wait3A_410 : memref<1x8x50x128xf32, #tpu.memory_space<vmem>> -> memref<8x50x128xf32, #tpu.memory_space<vmem>>
      %dma_wait3A_412 = arith.constant 0 : i32
      %dma_wait3A_413 = arith.constant 0 : i32
      %dma_wait3A_414 = tpu.memref_slice %dma_wait3A_411[%dma_wait3A_406, %dma_wait3A_412, %dma_wait3A_413] : memref<8x50x128xf32, #tpu.memory_space<vmem>> -> memref<1x50x128xf32, #tpu.memory_space<vmem>>
      %dma_wait3A_415 = tpu.memref_squeeze %dma_wait3A_414 : memref<1x50x128xf32, #tpu.memory_space<vmem>> -> memref<50x128xf32, #tpu.memory_space<vmem>>
      %dma_wait3A_416 = arith.constant 0 : i32
      %dma_wait3A_417 = arith.constant 0 : i32
      %dma_wait3A_418 = tpu.memref_slice %arg5[%dma_wait3A_403, %dma_wait3A_416, %dma_wait3A_417] : memref<2x8x50xi32, #tpu.memory_space<vmem>> -> memref<1x8x50xi32, #tpu.memory_space<vmem>>
      %dma_wait3A_419 = tpu.memref_squeeze %dma_wait3A_418 : memref<1x8x50xi32, #tpu.memory_space<vmem>> -> memref<8x50xi32, #tpu.memory_space<vmem>>
      %dma_wait3A_420 = arith.constant 0 : i32
      %dma_wait3A_421 = tpu.memref_slice %dma_wait3A_419[%dma_wait3A_404, %dma_wait3A_420] : memref<8x50xi32, #tpu.memory_space<vmem>> -> memref<1x50xi32, #tpu.memory_space<vmem>>
      %dma_wait3A_422 = tpu.memref_squeeze %dma_wait3A_421 : memref<1x50xi32, #tpu.memory_space<vmem>> -> memref<50xi32, #tpu.memory_space<vmem>>
      %dma_wait3A_423 = arith.constant 0 : i32
      %dma_wait3A_424 = arith.constant 0 : i32
      %dma_wait3A_425 = tpu.memref_slice %arg7[%dma_wait3A_423, %dma_wait3A_424] : memref<1000x128xf32, #tpu.memory_space<vmem_shared>> -> memref<1000x128xf32, #tpu.memory_space<vmem_shared>>
      tpu.wait_indirect_dma semaphore(%arg8 : memref<!tpu.dma_semaphore, #tpu.memory_space<semaphore_mem>>) src(%dma_wait3A_425 : memref<1000x128xf32, #tpu.memory_space<vmem_shared>>) dst(%dma_wait3A_415 : memref<50x128xf32, #tpu.memory_space<vmem>>)
      %mul3A_426 = arith.constant 8 : i32
      %mul3A_427 = arith.muli %add3A_235, %mul3A_426 : i32
      %add3A_428 = arith.addi %mul3A_2, %mul3A_427 : i32
      %dma_start3A_429 = arith.constant 0 : i32
      %dma_start3A_430 = arith.constant 0 : i32
      %dma_start3A_431 = arith.constant 0 : i32
      %dma_start3A_432 = arith.constant 0 : i32
      %dma_start3A_433 = tpu.memref_slice %arg6[%dma_start3A_429, %dma_start3A_430, %dma_start3A_431, %dma_start3A_432] : memref<2x8x50x128xf32, #tpu.memory_space<vmem>> -> memref<1x8x50x128xf32, #tpu.memory_space<vmem>>
      %dma_start3A_434 = tpu.memref_squeeze %dma_start3A_433 : memref<1x8x50x128xf32, #tpu.memory_space<vmem>> -> memref<8x50x128xf32, #tpu.memory_space<vmem>>
      %dma_start3A_435 = arith.constant 0 : i32
      %dma_start3A_436 = arith.constant 0 : i32
      %dma_start3A_437 = tpu.memref_slice %arg4[%add3A_428, %dma_start3A_435, %dma_start3A_436] : memref<16384x50x128xf32, #tpu.memory_space<hbm>> -> memref<8x50x128xf32, #tpu.memory_space<hbm>>
      %dma_start3A_438 = arith.constant 0 : i32
      %dma_start3A_439 = arith.constant 0 : i32
      %dma_start3A_440 = tpu.memref_slice %arg4[%add3A_428, %dma_start3A_438, %dma_start3A_439] : memref<16384x50x128xf32, #tpu.memory_space<hbm>> -> memref<8x50x128xf32, #tpu.memory_space<hbm>>
      %dma_start3A_441 = arith.constant 0 : i32
      %dma_start3A_442 = arith.constant 0 : i32
      %dma_start3A_443 = arith.constant 0 : i32
      %dma_start3A_444 = tpu.memref_slice %arg6[%dma_start3A_429, %dma_start3A_441, %dma_start3A_442, %dma_start3A_443] : memref<2x8x50x128xf32, #tpu.memory_space<vmem>> -> memref<1x8x50x128xf32, #tpu.memory_space<vmem>>
      %dma_start3A_445 = tpu.memref_squeeze %dma_start3A_444 : memref<1x8x50x128xf32, #tpu.memory_space<vmem>> -> memref<8x50x128xf32, #tpu.memory_space<vmem>>
      tpu.enqueue_dma source(%dma_start3A_445 : memref<8x50x128xf32, #tpu.memory_space<vmem>>) target(%dma_start3A_440 : memref<8x50x128xf32, #tpu.memory_space<hbm>>) target_semaphore(%arg10 : memref<!tpu.dma_semaphore, #tpu.memory_space<semaphore_mem>>)
      %mul3A_446 = arith.constant 2 : i32
      %mul3A_447 = arith.muli %mul3A_446, %add3A_231 : i32
      %add3A_448 = arith.constant 1 : i32
      %add3A_449 = arith.addi %mul3A_447, %add3A_448 : i32
      %add3A_450 = arith.constant 1 : i32
      %add3A_451 = arith.addi %add3A_449, %add3A_450 : i32
      %lt3A_452 = arith.constant 64 : i32
      %lt3A_453 = arith.cmpi slt, %add3A_451, %lt3A_452 : i32
      %convert_element_type3A_454 = arith.extui %lt3A_453 : i1 to i32
      %cond3A_455 = arith.constant 0 : i32
      %cond3A_456 = arith.cmpi ne, %convert_element_type3A_454, %cond3A_455 : i32
      scf.if %cond3A_456 {
        %ge3A = arith.constant 1 : i32
        %ge3A_661 = arith.cmpi sge, %add3A_449, %ge3A : i32
        %convert_element_type3A_662 = arith.extui %ge3A_661 : i1 to i32
        %cond3A_663 = arith.constant 0 : i32
        %cond3A_664 = arith.cmpi ne, %convert_element_type3A_662, %cond3A_663 : i32
        scf.if %cond3A_664 {
          %dma_wait3A_855 = arith.constant 0 : i32
          %dma_wait3A_856 = arith.constant 0 : i32
          %dma_wait3A_857 = arith.constant 0 : i32
          %dma_wait3A_858 = arith.constant 0 : i32
          %dma_wait3A_859 = tpu.memref_slice %arg6[%dma_wait3A_855, %dma_wait3A_856, %dma_wait3A_857, %dma_wait3A_858] : memref<2x8x50x128xf32, #tpu.memory_space<vmem>> -> memref<1x8x50x128xf32, #tpu.memory_space<vmem>>
          %dma_wait3A_860 = tpu.memref_squeeze %dma_wait3A_859 : memref<1x8x50x128xf32, #tpu.memory_space<vmem>> -> memref<8x50x128xf32, #tpu.memory_space<vmem>>
          %dma_wait3A_861 = arith.constant 0 : i32
          %dma_wait3A_862 = arith.constant 0 : i32
          %dma_wait3A_863 = tpu.memref_slice %arg4[%mul3A_2, %dma_wait3A_861, %dma_wait3A_862] : memref<16384x50x128xf32, #tpu.memory_space<hbm>> -> memref<8x50x128xf32, #tpu.memory_space<hbm>>
          %dma_wait3A_864 = arith.constant 0 : i32
          %dma_wait3A_865 = arith.constant 0 : i32
          %dma_wait3A_866 = tpu.memref_slice %arg4[%mul3A_2, %dma_wait3A_864, %dma_wait3A_865] : memref<16384x50x128xf32, #tpu.memory_space<hbm>> -> memref<8x50x128xf32, #tpu.memory_space<hbm>>
          %dma_wait3A_867 = arith.constant 0 : i32
          %dma_wait3A_868 = arith.constant 0 : i32
          %dma_wait3A_869 = arith.constant 0 : i32
          %dma_wait3A_870 = tpu.memref_slice %arg6[%dma_wait3A_855, %dma_wait3A_867, %dma_wait3A_868, %dma_wait3A_869] : memref<2x8x50x128xf32, #tpu.memory_space<vmem>> -> memref<1x8x50x128xf32, #tpu.memory_space<vmem>>
          %dma_wait3A_871 = tpu.memref_squeeze %dma_wait3A_870 : memref<1x8x50x128xf32, #tpu.memory_space<vmem>> -> memref<8x50x128xf32, #tpu.memory_space<vmem>>
          tpu.wait_dma2 semaphore(%arg10 : memref<!tpu.dma_semaphore, #tpu.memory_space<semaphore_mem>>) src(%dma_wait3A_871 : memref<8x50x128xf32, #tpu.memory_space<vmem>>) dst(%dma_wait3A_866 : memref<8x50x128xf32, #tpu.memory_space<hbm>>)
        } else {
        }
        %add3A_665 = arith.constant 1 : i32
        %add3A_666 = arith.addi %add3A_449, %add3A_665 : i32
        %mul3A_667 = arith.constant 8 : i32
        %mul3A_668 = arith.muli %add3A_666, %mul3A_667 : i32
        %add3A_669 = arith.addi %mul3A_2, %mul3A_668 : i32
        %run_scoped3A_670 = arith.constant 0 : i32
        "tpu.region"() ({
          %run_scoped3A_855 = tpu.sem_alloc : memref<!tpu.dma_semaphore, #tpu.memory_space<semaphore_mem>>
          %dma_start3A_856 = arith.constant 0 : i32
          %dma_start3A_857 = arith.constant 0 : i32
          %dma_start3A_858 = tpu.memref_slice %arg5[%run_scoped3A_670, %dma_start3A_856, %dma_start3A_857] : memref<2x8x50xi32, #tpu.memory_space<vmem>> -> memref<1x8x50xi32, #tpu.memory_space<vmem>>
          %dma_start3A_859 = tpu.memref_squeeze %dma_start3A_858 : memref<1x8x50xi32, #tpu.memory_space<vmem>> -> memref<8x50xi32, #tpu.memory_space<vmem>>
          %dma_start3A_860 = arith.constant 0 : i32
          %dma_start3A_861 = tpu.memref_slice %arg2[%add3A_669, %dma_start3A_860] : memref<16384x50xi32, #tpu.memory_space<hbm>> -> memref<8x50xi32, #tpu.memory_space<hbm>>
          %dma_start3A_862 = arith.constant 0 : i32
          %dma_start3A_863 = arith.constant 0 : i32
          %dma_start3A_864 = tpu.memref_slice %arg5[%run_scoped3A_670, %dma_start3A_862, %dma_start3A_863] : memref<2x8x50xi32, #tpu.memory_space<vmem>> -> memref<1x8x50xi32, #tpu.memory_space<vmem>>
          %dma_start3A_865 = tpu.memref_squeeze %dma_start3A_864 : memref<1x8x50xi32, #tpu.memory_space<vmem>> -> memref<8x50xi32, #tpu.memory_space<vmem>>
          %dma_start3A_866 = arith.constant 0 : i32
          %dma_start3A_867 = tpu.memref_slice %arg2[%add3A_669, %dma_start3A_866] : memref<16384x50xi32, #tpu.memory_space<hbm>> -> memref<8x50xi32, #tpu.memory_space<hbm>>
          tpu.enqueue_dma source(%dma_start3A_867 : memref<8x50xi32, #tpu.memory_space<hbm>>) target(%dma_start3A_865 : memref<8x50xi32, #tpu.memory_space<vmem>>) target_semaphore(%run_scoped3A_855 : memref<!tpu.dma_semaphore, #tpu.memory_space<semaphore_mem>>)
          %dma_wait3A_868 = arith.constant 0 : i32
          %dma_wait3A_869 = arith.constant 0 : i32
          %dma_wait3A_870 = tpu.memref_slice %arg5[%run_scoped3A_670, %dma_wait3A_868, %dma_wait3A_869] : memref<2x8x50xi32, #tpu.memory_space<vmem>> -> memref<1x8x50xi32, #tpu.memory_space<vmem>>
          %dma_wait3A_871 = tpu.memref_squeeze %dma_wait3A_870 : memref<1x8x50xi32, #tpu.memory_space<vmem>> -> memref<8x50xi32, #tpu.memory_space<vmem>>
          %dma_wait3A_872 = arith.constant 0 : i32
          %dma_wait3A_873 = tpu.memref_slice %arg2[%add3A_669, %dma_wait3A_872] : memref<16384x50xi32, #tpu.memory_space<hbm>> -> memref<8x50xi32, #tpu.memory_space<hbm>>
          %dma_wait3A_874 = arith.constant 0 : i32
          %dma_wait3A_875 = arith.constant 0 : i32
          %dma_wait3A_876 = tpu.memref_slice %arg5[%run_scoped3A_670, %dma_wait3A_874, %dma_wait3A_875] : memref<2x8x50xi32, #tpu.memory_space<vmem>> -> memref<1x8x50xi32, #tpu.memory_space<vmem>>
          %dma_wait3A_877 = tpu.memref_squeeze %dma_wait3A_876 : memref<1x8x50xi32, #tpu.memory_space<vmem>> -> memref<8x50xi32, #tpu.memory_space<vmem>>
          %dma_wait3A_878 = arith.constant 0 : i32
          %dma_wait3A_879 = tpu.memref_slice %arg2[%add3A_669, %dma_wait3A_878] : memref<16384x50xi32, #tpu.memory_space<hbm>> -> memref<8x50xi32, #tpu.memory_space<hbm>>
          tpu.wait_dma2 semaphore(%run_scoped3A_855 : memref<!tpu.dma_semaphore, #tpu.memory_space<semaphore_mem>>) src(%dma_wait3A_879 : memref<8x50xi32, #tpu.memory_space<hbm>>) dst(%dma_wait3A_877 : memref<8x50xi32, #tpu.memory_space<vmem>>)
          tpu.yield
        }) : () -> ()
        %dma_start3A_671 = arith.constant 0 : i32
        %dma_start3A_672 = arith.constant 0 : i32
        %dma_start3A_673 = arith.constant 0 : i32
        %dma_start3A_674 = arith.constant 0 : i32
        %dma_start3A_675 = arith.constant 0 : i32
        %dma_start3A_676 = arith.constant 0 : i32
        %dma_start3A_677 = arith.constant 0 : i32
        %dma_start3A_678 = tpu.memref_slice %arg6[%dma_start3A_673, %dma_start3A_675, %dma_start3A_676, %dma_start3A_677] : memref<2x8x50x128xf32, #tpu.memory_space<vmem>> -> memref<1x8x50x128xf32, #tpu.memory_space<vmem>>
        %dma_start3A_679 = tpu.memref_squeeze %dma_start3A_678 : memref<1x8x50x128xf32, #tpu.memory_space<vmem>> -> memref<8x50x128xf32, #tpu.memory_space<vmem>>
        %dma_start3A_680 = arith.constant 0 : i32
        %dma_start3A_681 = arith.constant 0 : i32
        %dma_start3A_682 = tpu.memref_slice %dma_start3A_679[%dma_start3A_674, %dma_start3A_680, %dma_start3A_681] : memref<8x50x128xf32, #tpu.memory_space<vmem>> -> memref<1x50x128xf32, #tpu.memory_space<vmem>>
        %dma_start3A_683 = tpu.memref_squeeze %dma_start3A_682 : memref<1x50x128xf32, #tpu.memory_space<vmem>> -> memref<50x128xf32, #tpu.memory_space<vmem>>
        %dma_start3A_684 = arith.constant 0 : i32
        %dma_start3A_685 = arith.constant 0 : i32
        %dma_start3A_686 = tpu.memref_slice %arg5[%dma_start3A_671, %dma_start3A_684, %dma_start3A_685] : memref<2x8x50xi32, #tpu.memory_space<vmem>> -> memref<1x8x50xi32, #tpu.memory_space<vmem>>
        %dma_start3A_687 = tpu.memref_squeeze %dma_start3A_686 : memref<1x8x50xi32, #tpu.memory_space<vmem>> -> memref<8x50xi32, #tpu.memory_space<vmem>>
        %dma_start3A_688 = arith.constant 0 : i32
        %dma_start3A_689 = tpu.memref_slice %dma_start3A_687[%dma_start3A_672, %dma_start3A_688] : memref<8x50xi32, #tpu.memory_space<vmem>> -> memref<1x50xi32, #tpu.memory_space<vmem>>
        %dma_start3A_690 = tpu.memref_squeeze %dma_start3A_689 : memref<1x50xi32, #tpu.memory_space<vmem>> -> memref<50xi32, #tpu.memory_space<vmem>>
        %dma_start3A_691 = arith.constant 0 : i32
        %dma_start3A_692 = arith.constant 0 : i32
        %dma_start3A_693 = tpu.memref_slice %arg7[%dma_start3A_691, %dma_start3A_692] : memref<1000x128xf32, #tpu.memory_space<vmem_shared>> -> memref<1000x128xf32, #tpu.memory_space<vmem_shared>>
        tpu.enqueue_indirect_dma source(%dma_start3A_693 : memref<1000x128xf32, #tpu.memory_space<vmem_shared>>) target(%dma_start3A_683 : memref<50x128xf32, #tpu.memory_space<vmem>>) offsets(%dma_start3A_690 : memref<50xi32, #tpu.memory_space<vmem>>) semaphore(%arg8 : memref<!tpu.dma_semaphore, #tpu.memory_space<semaphore_mem>>)
        %dma_start3A_694 = arith.constant 0 : i32
        %dma_start3A_695 = arith.constant 1 : i32
        %dma_start3A_696 = arith.constant 0 : i32
        %dma_start3A_697 = arith.constant 1 : i32
        %dma_start3A_698 = arith.constant 0 : i32
        %dma_start3A_699 = arith.constant 0 : i32
        %dma_start3A_700 = arith.constant 0 : i32
        %dma_start3A_701 = tpu.memref_slice %arg6[%dma_start3A_696, %dma_start3A_698, %dma_start3A_699, %dma_start3A_700] : memref<2x8x50x128xf32, #tpu.memory_space<vmem>> -> memref<1x8x50x128xf32, #tpu.memory_space<vmem>>
        %dma_start3A_702 = tpu.memref_squeeze %dma_start3A_701 : memref<1x8x50x128xf32, #tpu.memory_space<vmem>> -> memref<8x50x128xf32, #tpu.memory_space<vmem>>
        %dma_start3A_703 = arith.constant 0 : i32
        %dma_start3A_704 = arith.constant 0 : i32
        %dma_start3A_705 = tpu.memref_slice %dma_start3A_702[%dma_start3A_697, %dma_start3A_703, %dma_start3A_704] : memref<8x50x128xf32, #tpu.memory_space<vmem>> -> memref<1x50x128xf32, #tpu.memory_space<vmem>>
        %dma_start3A_706 = tpu.memref_squeeze %dma_start3A_705 : memref<1x50x128xf32, #tpu.memory_space<vmem>> -> memref<50x128xf32, #tpu.memory_space<vmem>>
        %dma_start3A_707 = arith.constant 0 : i32
        %dma_start3A_708 = arith.constant 0 : i32
        %dma_start3A_709 = tpu.memref_slice %arg5[%dma_start3A_694, %dma_start3A_707, %dma_start3A_708] : memref<2x8x50xi32, #tpu.memory_space<vmem>> -> memref<1x8x50xi32, #tpu.memory_space<vmem>>
        %dma_start3A_710 = tpu.memref_squeeze %dma_start3A_709 : memref<1x8x50xi32, #tpu.memory_space<vmem>> -> memref<8x50xi32, #tpu.memory_space<vmem>>
        %dma_start3A_711 = arith.constant 0 : i32
        %dma_start3A_712 = tpu.memref_slice %dma_start3A_710[%dma_start3A_695, %dma_start3A_711] : memref<8x50xi32, #tpu.memory_space<vmem>> -> memref<1x50xi32, #tpu.memory_space<vmem>>
        %dma_start3A_713 = tpu.memref_squeeze %dma_start3A_712 : memref<1x50xi32, #tpu.memory_space<vmem>> -> memref<50xi32, #tpu.memory_space<vmem>>
        %dma_start3A_714 = arith.constant 0 : i32
        %dma_start3A_715 = arith.constant 0 : i32
        %dma_start3A_716 = tpu.memref_slice %arg7[%dma_start3A_714, %dma_start3A_715] : memref<1000x128xf32, #tpu.memory_space<vmem_shared>> -> memref<1000x128xf32, #tpu.memory_space<vmem_shared>>
        tpu.enqueue_indirect_dma source(%dma_start3A_716 : memref<1000x128xf32, #tpu.memory_space<vmem_shared>>) target(%dma_start3A_706 : memref<50x128xf32, #tpu.memory_space<vmem>>) offsets(%dma_start3A_713 : memref<50xi32, #tpu.memory_space<vmem>>) semaphore(%arg8 : memref<!tpu.dma_semaphore, #tpu.memory_space<semaphore_mem>>)
        %dma_start3A_717 = arith.constant 0 : i32
        %dma_start3A_718 = arith.constant 2 : i32
        %dma_start3A_719 = arith.constant 0 : i32
        %dma_start3A_720 = arith.constant 2 : i32
        %dma_start3A_721 = arith.constant 0 : i32
        %dma_start3A_722 = arith.constant 0 : i32
        %dma_start3A_723 = arith.constant 0 : i32
        %dma_start3A_724 = tpu.memref_slice %arg6[%dma_start3A_719, %dma_start3A_721, %dma_start3A_722, %dma_start3A_723] : memref<2x8x50x128xf32, #tpu.memory_space<vmem>> -> memref<1x8x50x128xf32, #tpu.memory_space<vmem>>
        %dma_start3A_725 = tpu.memref_squeeze %dma_start3A_724 : memref<1x8x50x128xf32, #tpu.memory_space<vmem>> -> memref<8x50x128xf32, #tpu.memory_space<vmem>>
        %dma_start3A_726 = arith.constant 0 : i32
        %dma_start3A_727 = arith.constant 0 : i32
        %dma_start3A_728 = tpu.memref_slice %dma_start3A_725[%dma_start3A_720, %dma_start3A_726, %dma_start3A_727] : memref<8x50x128xf32, #tpu.memory_space<vmem>> -> memref<1x50x128xf32, #tpu.memory_space<vmem>>
        %dma_start3A_729 = tpu.memref_squeeze %dma_start3A_728 : memref<1x50x128xf32, #tpu.memory_space<vmem>> -> memref<50x128xf32, #tpu.memory_space<vmem>>
        %dma_start3A_730 = arith.constant 0 : i32
        %dma_start3A_731 = arith.constant 0 : i32
        %dma_start3A_732 = tpu.memref_slice %arg5[%dma_start3A_717, %dma_start3A_730, %dma_start3A_731] : memref<2x8x50xi32, #tpu.memory_space<vmem>> -> memref<1x8x50xi32, #tpu.memory_space<vmem>>
        %dma_start3A_733 = tpu.memref_squeeze %dma_start3A_732 : memref<1x8x50xi32, #tpu.memory_space<vmem>> -> memref<8x50xi32, #tpu.memory_space<vmem>>
        %dma_start3A_734 = arith.constant 0 : i32
        %dma_start3A_735 = tpu.memref_slice %dma_start3A_733[%dma_start3A_718, %dma_start3A_734] : memref<8x50xi32, #tpu.memory_space<vmem>> -> memref<1x50xi32, #tpu.memory_space<vmem>>
        %dma_start3A_736 = tpu.memref_squeeze %dma_start3A_735 : memref<1x50xi32, #tpu.memory_space<vmem>> -> memref<50xi32, #tpu.memory_space<vmem>>
        %dma_start3A_737 = arith.constant 0 : i32
        %dma_start3A_738 = arith.constant 0 : i32
        %dma_start3A_739 = tpu.memref_slice %arg7[%dma_start3A_737, %dma_start3A_738] : memref<1000x128xf32, #tpu.memory_space<vmem_shared>> -> memref<1000x128xf32, #tpu.memory_space<vmem_shared>>
        tpu.enqueue_indirect_dma source(%dma_start3A_739 : memref<1000x128xf32, #tpu.memory_space<vmem_shared>>) target(%dma_start3A_729 : memref<50x128xf32, #tpu.memory_space<vmem>>) offsets(%dma_start3A_736 : memref<50xi32, #tpu.memory_space<vmem>>) semaphore(%arg8 : memref<!tpu.dma_semaphore, #tpu.memory_space<semaphore_mem>>)
        %dma_start3A_740 = arith.constant 0 : i32
        %dma_start3A_741 = arith.constant 3 : i32
        %dma_start3A_742 = arith.constant 0 : i32
        %dma_start3A_743 = arith.constant 3 : i32
        %dma_start3A_744 = arith.constant 0 : i32
        %dma_start3A_745 = arith.constant 0 : i32
        %dma_start3A_746 = arith.constant 0 : i32
        %dma_start3A_747 = tpu.memref_slice %arg6[%dma_start3A_742, %dma_start3A_744, %dma_start3A_745, %dma_start3A_746] : memref<2x8x50x128xf32, #tpu.memory_space<vmem>> -> memref<1x8x50x128xf32, #tpu.memory_space<vmem>>
        %dma_start3A_748 = tpu.memref_squeeze %dma_start3A_747 : memref<1x8x50x128xf32, #tpu.memory_space<vmem>> -> memref<8x50x128xf32, #tpu.memory_space<vmem>>
        %dma_start3A_749 = arith.constant 0 : i32
        %dma_start3A_750 = arith.constant 0 : i32
        %dma_start3A_751 = tpu.memref_slice %dma_start3A_748[%dma_start3A_743, %dma_start3A_749, %dma_start3A_750] : memref<8x50x128xf32, #tpu.memory_space<vmem>> -> memref<1x50x128xf32, #tpu.memory_space<vmem>>
        %dma_start3A_752 = tpu.memref_squeeze %dma_start3A_751 : memref<1x50x128xf32, #tpu.memory_space<vmem>> -> memref<50x128xf32, #tpu.memory_space<vmem>>
        %dma_start3A_753 = arith.constant 0 : i32
        %dma_start3A_754 = arith.constant 0 : i32
        %dma_start3A_755 = tpu.memref_slice %arg5[%dma_start3A_740, %dma_start3A_753, %dma_start3A_754] : memref<2x8x50xi32, #tpu.memory_space<vmem>> -> memref<1x8x50xi32, #tpu.memory_space<vmem>>
        %dma_start3A_756 = tpu.memref_squeeze %dma_start3A_755 : memref<1x8x50xi32, #tpu.memory_space<vmem>> -> memref<8x50xi32, #tpu.memory_space<vmem>>
        %dma_start3A_757 = arith.constant 0 : i32
        %dma_start3A_758 = tpu.memref_slice %dma_start3A_756[%dma_start3A_741, %dma_start3A_757] : memref<8x50xi32, #tpu.memory_space<vmem>> -> memref<1x50xi32, #tpu.memory_space<vmem>>
        %dma_start3A_759 = tpu.memref_squeeze %dma_start3A_758 : memref<1x50xi32, #tpu.memory_space<vmem>> -> memref<50xi32, #tpu.memory_space<vmem>>
        %dma_start3A_760 = arith.constant 0 : i32
        %dma_start3A_761 = arith.constant 0 : i32
        %dma_start3A_762 = tpu.memref_slice %arg7[%dma_start3A_760, %dma_start3A_761] : memref<1000x128xf32, #tpu.memory_space<vmem_shared>> -> memref<1000x128xf32, #tpu.memory_space<vmem_shared>>
        tpu.enqueue_indirect_dma source(%dma_start3A_762 : memref<1000x128xf32, #tpu.memory_space<vmem_shared>>) target(%dma_start3A_752 : memref<50x128xf32, #tpu.memory_space<vmem>>) offsets(%dma_start3A_759 : memref<50xi32, #tpu.memory_space<vmem>>) semaphore(%arg8 : memref<!tpu.dma_semaphore, #tpu.memory_space<semaphore_mem>>)
        %dma_start3A_763 = arith.constant 0 : i32
        %dma_start3A_764 = arith.constant 4 : i32
        %dma_start3A_765 = arith.constant 0 : i32
        %dma_start3A_766 = arith.constant 4 : i32
        %dma_start3A_767 = arith.constant 0 : i32
        %dma_start3A_768 = arith.constant 0 : i32
        %dma_start3A_769 = arith.constant 0 : i32
        %dma_start3A_770 = tpu.memref_slice %arg6[%dma_start3A_765, %dma_start3A_767, %dma_start3A_768, %dma_start3A_769] : memref<2x8x50x128xf32, #tpu.memory_space<vmem>> -> memref<1x8x50x128xf32, #tpu.memory_space<vmem>>
        %dma_start3A_771 = tpu.memref_squeeze %dma_start3A_770 : memref<1x8x50x128xf32, #tpu.memory_space<vmem>> -> memref<8x50x128xf32, #tpu.memory_space<vmem>>
        %dma_start3A_772 = arith.constant 0 : i32
        %dma_start3A_773 = arith.constant 0 : i32
        %dma_start3A_774 = tpu.memref_slice %dma_start3A_771[%dma_start3A_766, %dma_start3A_772, %dma_start3A_773] : memref<8x50x128xf32, #tpu.memory_space<vmem>> -> memref<1x50x128xf32, #tpu.memory_space<vmem>>
        %dma_start3A_775 = tpu.memref_squeeze %dma_start3A_774 : memref<1x50x128xf32, #tpu.memory_space<vmem>> -> memref<50x128xf32, #tpu.memory_space<vmem>>
        %dma_start3A_776 = arith.constant 0 : i32
        %dma_start3A_777 = arith.constant 0 : i32
        %dma_start3A_778 = tpu.memref_slice %arg5[%dma_start3A_763, %dma_start3A_776, %dma_start3A_777] : memref<2x8x50xi32, #tpu.memory_space<vmem>> -> memref<1x8x50xi32, #tpu.memory_space<vmem>>
        %dma_start3A_779 = tpu.memref_squeeze %dma_start3A_778 : memref<1x8x50xi32, #tpu.memory_space<vmem>> -> memref<8x50xi32, #tpu.memory_space<vmem>>
        %dma_start3A_780 = arith.constant 0 : i32
        %dma_start3A_781 = tpu.memref_slice %dma_start3A_779[%dma_start3A_764, %dma_start3A_780] : memref<8x50xi32, #tpu.memory_space<vmem>> -> memref<1x50xi32, #tpu.memory_space<vmem>>
        %dma_start3A_782 = tpu.memref_squeeze %dma_start3A_781 : memref<1x50xi32, #tpu.memory_space<vmem>> -> memref<50xi32, #tpu.memory_space<vmem>>
        %dma_start3A_783 = arith.constant 0 : i32
        %dma_start3A_784 = arith.constant 0 : i32
        %dma_start3A_785 = tpu.memref_slice %arg7[%dma_start3A_783, %dma_start3A_784] : memref<1000x128xf32, #tpu.memory_space<vmem_shared>> -> memref<1000x128xf32, #tpu.memory_space<vmem_shared>>
        tpu.enqueue_indirect_dma source(%dma_start3A_785 : memref<1000x128xf32, #tpu.memory_space<vmem_shared>>) target(%dma_start3A_775 : memref<50x128xf32, #tpu.memory_space<vmem>>) offsets(%dma_start3A_782 : memref<50xi32, #tpu.memory_space<vmem>>) semaphore(%arg8 : memref<!tpu.dma_semaphore, #tpu.memory_space<semaphore_mem>>)
        %dma_start3A_786 = arith.constant 0 : i32
        %dma_start3A_787 = arith.constant 5 : i32
        %dma_start3A_788 = arith.constant 0 : i32
        %dma_start3A_789 = arith.constant 5 : i32
        %dma_start3A_790 = arith.constant 0 : i32
        %dma_start3A_791 = arith.constant 0 : i32
        %dma_start3A_792 = arith.constant 0 : i32
        %dma_start3A_793 = tpu.memref_slice %arg6[%dma_start3A_788, %dma_start3A_790, %dma_start3A_791, %dma_start3A_792] : memref<2x8x50x128xf32, #tpu.memory_space<vmem>> -> memref<1x8x50x128xf32, #tpu.memory_space<vmem>>
        %dma_start3A_794 = tpu.memref_squeeze %dma_start3A_793 : memref<1x8x50x128xf32, #tpu.memory_space<vmem>> -> memref<8x50x128xf32, #tpu.memory_space<vmem>>
        %dma_start3A_795 = arith.constant 0 : i32
        %dma_start3A_796 = arith.constant 0 : i32
        %dma_start3A_797 = tpu.memref_slice %dma_start3A_794[%dma_start3A_789, %dma_start3A_795, %dma_start3A_796] : memref<8x50x128xf32, #tpu.memory_space<vmem>> -> memref<1x50x128xf32, #tpu.memory_space<vmem>>
        %dma_start3A_798 = tpu.memref_squeeze %dma_start3A_797 : memref<1x50x128xf32, #tpu.memory_space<vmem>> -> memref<50x128xf32, #tpu.memory_space<vmem>>
        %dma_start3A_799 = arith.constant 0 : i32
        %dma_start3A_800 = arith.constant 0 : i32
        %dma_start3A_801 = tpu.memref_slice %arg5[%dma_start3A_786, %dma_start3A_799, %dma_start3A_800] : memref<2x8x50xi32, #tpu.memory_space<vmem>> -> memref<1x8x50xi32, #tpu.memory_space<vmem>>
        %dma_start3A_802 = tpu.memref_squeeze %dma_start3A_801 : memref<1x8x50xi32, #tpu.memory_space<vmem>> -> memref<8x50xi32, #tpu.memory_space<vmem>>
        %dma_start3A_803 = arith.constant 0 : i32
        %dma_start3A_804 = tpu.memref_slice %dma_start3A_802[%dma_start3A_787, %dma_start3A_803] : memref<8x50xi32, #tpu.memory_space<vmem>> -> memref<1x50xi32, #tpu.memory_space<vmem>>
        %dma_start3A_805 = tpu.memref_squeeze %dma_start3A_804 : memref<1x50xi32, #tpu.memory_space<vmem>> -> memref<50xi32, #tpu.memory_space<vmem>>
        %dma_start3A_806 = arith.constant 0 : i32
        %dma_start3A_807 = arith.constant 0 : i32
        %dma_start3A_808 = tpu.memref_slice %arg7[%dma_start3A_806, %dma_start3A_807] : memref<1000x128xf32, #tpu.memory_space<vmem_shared>> -> memref<1000x128xf32, #tpu.memory_space<vmem_shared>>
        tpu.enqueue_indirect_dma source(%dma_start3A_808 : memref<1000x128xf32, #tpu.memory_space<vmem_shared>>) target(%dma_start3A_798 : memref<50x128xf32, #tpu.memory_space<vmem>>) offsets(%dma_start3A_805 : memref<50xi32, #tpu.memory_space<vmem>>) semaphore(%arg8 : memref<!tpu.dma_semaphore, #tpu.memory_space<semaphore_mem>>)
        %dma_start3A_809 = arith.constant 0 : i32
        %dma_start3A_810 = arith.constant 6 : i32
        %dma_start3A_811 = arith.constant 0 : i32
        %dma_start3A_812 = arith.constant 6 : i32
        %dma_start3A_813 = arith.constant 0 : i32
        %dma_start3A_814 = arith.constant 0 : i32
        %dma_start3A_815 = arith.constant 0 : i32
        %dma_start3A_816 = tpu.memref_slice %arg6[%dma_start3A_811, %dma_start3A_813, %dma_start3A_814, %dma_start3A_815] : memref<2x8x50x128xf32, #tpu.memory_space<vmem>> -> memref<1x8x50x128xf32, #tpu.memory_space<vmem>>
        %dma_start3A_817 = tpu.memref_squeeze %dma_start3A_816 : memref<1x8x50x128xf32, #tpu.memory_space<vmem>> -> memref<8x50x128xf32, #tpu.memory_space<vmem>>
        %dma_start3A_818 = arith.constant 0 : i32
        %dma_start3A_819 = arith.constant 0 : i32
        %dma_start3A_820 = tpu.memref_slice %dma_start3A_817[%dma_start3A_812, %dma_start3A_818, %dma_start3A_819] : memref<8x50x128xf32, #tpu.memory_space<vmem>> -> memref<1x50x128xf32, #tpu.memory_space<vmem>>
        %dma_start3A_821 = tpu.memref_squeeze %dma_start3A_820 : memref<1x50x128xf32, #tpu.memory_space<vmem>> -> memref<50x128xf32, #tpu.memory_space<vmem>>
        %dma_start3A_822 = arith.constant 0 : i32
        %dma_start3A_823 = arith.constant 0 : i32
        %dma_start3A_824 = tpu.memref_slice %arg5[%dma_start3A_809, %dma_start3A_822, %dma_start3A_823] : memref<2x8x50xi32, #tpu.memory_space<vmem>> -> memref<1x8x50xi32, #tpu.memory_space<vmem>>
        %dma_start3A_825 = tpu.memref_squeeze %dma_start3A_824 : memref<1x8x50xi32, #tpu.memory_space<vmem>> -> memref<8x50xi32, #tpu.memory_space<vmem>>
        %dma_start3A_826 = arith.constant 0 : i32
        %dma_start3A_827 = tpu.memref_slice %dma_start3A_825[%dma_start3A_810, %dma_start3A_826] : memref<8x50xi32, #tpu.memory_space<vmem>> -> memref<1x50xi32, #tpu.memory_space<vmem>>
        %dma_start3A_828 = tpu.memref_squeeze %dma_start3A_827 : memref<1x50xi32, #tpu.memory_space<vmem>> -> memref<50xi32, #tpu.memory_space<vmem>>
        %dma_start3A_829 = arith.constant 0 : i32
        %dma_start3A_830 = arith.constant 0 : i32
        %dma_start3A_831 = tpu.memref_slice %arg7[%dma_start3A_829, %dma_start3A_830] : memref<1000x128xf32, #tpu.memory_space<vmem_shared>> -> memref<1000x128xf32, #tpu.memory_space<vmem_shared>>
        tpu.enqueue_indirect_dma source(%dma_start3A_831 : memref<1000x128xf32, #tpu.memory_space<vmem_shared>>) target(%dma_start3A_821 : memref<50x128xf32, #tpu.memory_space<vmem>>) offsets(%dma_start3A_828 : memref<50xi32, #tpu.memory_space<vmem>>) semaphore(%arg8 : memref<!tpu.dma_semaphore, #tpu.memory_space<semaphore_mem>>)
        %dma_start3A_832 = arith.constant 0 : i32
        %dma_start3A_833 = arith.constant 7 : i32
        %dma_start3A_834 = arith.constant 0 : i32
        %dma_start3A_835 = arith.constant 7 : i32
        %dma_start3A_836 = arith.constant 0 : i32
        %dma_start3A_837 = arith.constant 0 : i32
        %dma_start3A_838 = arith.constant 0 : i32
        %dma_start3A_839 = tpu.memref_slice %arg6[%dma_start3A_834, %dma_start3A_836, %dma_start3A_837, %dma_start3A_838] : memref<2x8x50x128xf32, #tpu.memory_space<vmem>> -> memref<1x8x50x128xf32, #tpu.memory_space<vmem>>
        %dma_start3A_840 = tpu.memref_squeeze %dma_start3A_839 : memref<1x8x50x128xf32, #tpu.memory_space<vmem>> -> memref<8x50x128xf32, #tpu.memory_space<vmem>>
        %dma_start3A_841 = arith.constant 0 : i32
        %dma_start3A_842 = arith.constant 0 : i32
        %dma_start3A_843 = tpu.memref_slice %dma_start3A_840[%dma_start3A_835, %dma_start3A_841, %dma_start3A_842] : memref<8x50x128xf32, #tpu.memory_space<vmem>> -> memref<1x50x128xf32, #tpu.memory_space<vmem>>
        %dma_start3A_844 = tpu.memref_squeeze %dma_start3A_843 : memref<1x50x128xf32, #tpu.memory_space<vmem>> -> memref<50x128xf32, #tpu.memory_space<vmem>>
        %dma_start3A_845 = arith.constant 0 : i32
        %dma_start3A_846 = arith.constant 0 : i32
        %dma_start3A_847 = tpu.memref_slice %arg5[%dma_start3A_832, %dma_start3A_845, %dma_start3A_846] : memref<2x8x50xi32, #tpu.memory_space<vmem>> -> memref<1x8x50xi32, #tpu.memory_space<vmem>>
        %dma_start3A_848 = tpu.memref_squeeze %dma_start3A_847 : memref<1x8x50xi32, #tpu.memory_space<vmem>> -> memref<8x50xi32, #tpu.memory_space<vmem>>
        %dma_start3A_849 = arith.constant 0 : i32
        %dma_start3A_850 = tpu.memref_slice %dma_start3A_848[%dma_start3A_833, %dma_start3A_849] : memref<8x50xi32, #tpu.memory_space<vmem>> -> memref<1x50xi32, #tpu.memory_space<vmem>>
        %dma_start3A_851 = tpu.memref_squeeze %dma_start3A_850 : memref<1x50xi32, #tpu.memory_space<vmem>> -> memref<50xi32, #tpu.memory_space<vmem>>
        %dma_start3A_852 = arith.constant 0 : i32
        %dma_start3A_853 = arith.constant 0 : i32
        %dma_start3A_854 = tpu.memref_slice %arg7[%dma_start3A_852, %dma_start3A_853] : memref<1000x128xf32, #tpu.memory_space<vmem_shared>> -> memref<1000x128xf32, #tpu.memory_space<vmem_shared>>
        tpu.enqueue_indirect_dma source(%dma_start3A_854 : memref<1000x128xf32, #tpu.memory_space<vmem_shared>>) target(%dma_start3A_844 : memref<50x128xf32, #tpu.memory_space<vmem>>) offsets(%dma_start3A_851 : memref<50xi32, #tpu.memory_space<vmem>>) semaphore(%arg8 : memref<!tpu.dma_semaphore, #tpu.memory_space<semaphore_mem>>)
      } else {
      }
      %dma_wait3A_457 = arith.constant 1 : i32
      %dma_wait3A_458 = arith.constant 0 : i32
      %dma_wait3A_459 = arith.constant 1 : i32
      %dma_wait3A_460 = arith.constant 0 : i32
      %dma_wait3A_461 = arith.constant 0 : i32
      %dma_wait3A_462 = arith.constant 0 : i32
      %dma_wait3A_463 = arith.constant 0 : i32
      %dma_wait3A_464 = tpu.memref_slice %arg6[%dma_wait3A_459, %dma_wait3A_461, %dma_wait3A_462, %dma_wait3A_463] : memref<2x8x50x128xf32, #tpu.memory_space<vmem>> -> memref<1x8x50x128xf32, #tpu.memory_space<vmem>>
      %dma_wait3A_465 = tpu.memref_squeeze %dma_wait3A_464 : memref<1x8x50x128xf32, #tpu.memory_space<vmem>> -> memref<8x50x128xf32, #tpu.memory_space<vmem>>
      %dma_wait3A_466 = arith.constant 0 : i32
      %dma_wait3A_467 = arith.constant 0 : i32
      %dma_wait3A_468 = tpu.memref_slice %dma_wait3A_465[%dma_wait3A_460, %dma_wait3A_466, %dma_wait3A_467] : memref<8x50x128xf32, #tpu.memory_space<vmem>> -> memref<1x50x128xf32, #tpu.memory_space<vmem>>
      %dma_wait3A_469 = tpu.memref_squeeze %dma_wait3A_468 : memref<1x50x128xf32, #tpu.memory_space<vmem>> -> memref<50x128xf32, #tpu.memory_space<vmem>>
      %dma_wait3A_470 = arith.constant 0 : i32
      %dma_wait3A_471 = arith.constant 0 : i32
      %dma_wait3A_472 = tpu.memref_slice %arg5[%dma_wait3A_457, %dma_wait3A_470, %dma_wait3A_471] : memref<2x8x50xi32, #tpu.memory_space<vmem>> -> memref<1x8x50xi32, #tpu.memory_space<vmem>>
      %dma_wait3A_473 = tpu.memref_squeeze %dma_wait3A_472 : memref<1x8x50xi32, #tpu.memory_space<vmem>> -> memref<8x50xi32, #tpu.memory_space<vmem>>
      %dma_wait3A_474 = arith.constant 0 : i32
      %dma_wait3A_475 = tpu.memref_slice %dma_wait3A_473[%dma_wait3A_458, %dma_wait3A_474] : memref<8x50xi32, #tpu.memory_space<vmem>> -> memref<1x50xi32, #tpu.memory_space<vmem>>
      %dma_wait3A_476 = tpu.memref_squeeze %dma_wait3A_475 : memref<1x50xi32, #tpu.memory_space<vmem>> -> memref<50xi32, #tpu.memory_space<vmem>>
      %dma_wait3A_477 = arith.constant 0 : i32
      %dma_wait3A_478 = arith.constant 0 : i32
      %dma_wait3A_479 = tpu.memref_slice %arg7[%dma_wait3A_477, %dma_wait3A_478] : memref<1000x128xf32, #tpu.memory_space<vmem_shared>> -> memref<1000x128xf32, #tpu.memory_space<vmem_shared>>
      tpu.wait_indirect_dma semaphore(%arg9 : memref<!tpu.dma_semaphore, #tpu.memory_space<semaphore_mem>>) src(%dma_wait3A_479 : memref<1000x128xf32, #tpu.memory_space<vmem_shared>>) dst(%dma_wait3A_469 : memref<50x128xf32, #tpu.memory_space<vmem>>)
      %dma_wait3A_480 = arith.constant 1 : i32
      %dma_wait3A_481 = arith.constant 1 : i32
      %dma_wait3A_482 = arith.constant 1 : i32
      %dma_wait3A_483 = arith.constant 1 : i32
      %dma_wait3A_484 = arith.constant 0 : i32
      %dma_wait3A_485 = arith.constant 0 : i32
      %dma_wait3A_486 = arith.constant 0 : i32
      %dma_wait3A_487 = tpu.memref_slice %arg6[%dma_wait3A_482, %dma_wait3A_484, %dma_wait3A_485, %dma_wait3A_486] : memref<2x8x50x128xf32, #tpu.memory_space<vmem>> -> memref<1x8x50x128xf32, #tpu.memory_space<vmem>>
      %dma_wait3A_488 = tpu.memref_squeeze %dma_wait3A_487 : memref<1x8x50x128xf32, #tpu.memory_space<vmem>> -> memref<8x50x128xf32, #tpu.memory_space<vmem>>
      %dma_wait3A_489 = arith.constant 0 : i32
      %dma_wait3A_490 = arith.constant 0 : i32
      %dma_wait3A_491 = tpu.memref_slice %dma_wait3A_488[%dma_wait3A_483, %dma_wait3A_489, %dma_wait3A_490] : memref<8x50x128xf32, #tpu.memory_space<vmem>> -> memref<1x50x128xf32, #tpu.memory_space<vmem>>
      %dma_wait3A_492 = tpu.memref_squeeze %dma_wait3A_491 : memref<1x50x128xf32, #tpu.memory_space<vmem>> -> memref<50x128xf32, #tpu.memory_space<vmem>>
      %dma_wait3A_493 = arith.constant 0 : i32
      %dma_wait3A_494 = arith.constant 0 : i32
      %dma_wait3A_495 = tpu.memref_slice %arg5[%dma_wait3A_480, %dma_wait3A_493, %dma_wait3A_494] : memref<2x8x50xi32, #tpu.memory_space<vmem>> -> memref<1x8x50xi32, #tpu.memory_space<vmem>>
      %dma_wait3A_496 = tpu.memref_squeeze %dma_wait3A_495 : memref<1x8x50xi32, #tpu.memory_space<vmem>> -> memref<8x50xi32, #tpu.memory_space<vmem>>
      %dma_wait3A_497 = arith.constant 0 : i32
      %dma_wait3A_498 = tpu.memref_slice %dma_wait3A_496[%dma_wait3A_481, %dma_wait3A_497] : memref<8x50xi32, #tpu.memory_space<vmem>> -> memref<1x50xi32, #tpu.memory_space<vmem>>
      %dma_wait3A_499 = tpu.memref_squeeze %dma_wait3A_498 : memref<1x50xi32, #tpu.memory_space<vmem>> -> memref<50xi32, #tpu.memory_space<vmem>>
      %dma_wait3A_500 = arith.constant 0 : i32
      %dma_wait3A_501 = arith.constant 0 : i32
      %dma_wait3A_502 = tpu.memref_slice %arg7[%dma_wait3A_500, %dma_wait3A_501] : memref<1000x128xf32, #tpu.memory_space<vmem_shared>> -> memref<1000x128xf32, #tpu.memory_space<vmem_shared>>
      tpu.wait_indirect_dma semaphore(%arg9 : memref<!tpu.dma_semaphore, #tpu.memory_space<semaphore_mem>>) src(%dma_wait3A_502 : memref<1000x128xf32, #tpu.memory_space<vmem_shared>>) dst(%dma_wait3A_492 : memref<50x128xf32, #tpu.memory_space<vmem>>)
      %dma_wait3A_503 = arith.constant 1 : i32
      %dma_wait3A_504 = arith.constant 2 : i32
      %dma_wait3A_505 = arith.constant 1 : i32
      %dma_wait3A_506 = arith.constant 2 : i32
      %dma_wait3A_507 = arith.constant 0 : i32
      %dma_wait3A_508 = arith.constant 0 : i32
      %dma_wait3A_509 = arith.constant 0 : i32
      %dma_wait3A_510 = tpu.memref_slice %arg6[%dma_wait3A_505, %dma_wait3A_507, %dma_wait3A_508, %dma_wait3A_509] : memref<2x8x50x128xf32, #tpu.memory_space<vmem>> -> memref<1x8x50x128xf32, #tpu.memory_space<vmem>>
      %dma_wait3A_511 = tpu.memref_squeeze %dma_wait3A_510 : memref<1x8x50x128xf32, #tpu.memory_space<vmem>> -> memref<8x50x128xf32, #tpu.memory_space<vmem>>
      %dma_wait3A_512 = arith.constant 0 : i32
      %dma_wait3A_513 = arith.constant 0 : i32
      %dma_wait3A_514 = tpu.memref_slice %dma_wait3A_511[%dma_wait3A_506, %dma_wait3A_512, %dma_wait3A_513] : memref<8x50x128xf32, #tpu.memory_space<vmem>> -> memref<1x50x128xf32, #tpu.memory_space<vmem>>
      %dma_wait3A_515 = tpu.memref_squeeze %dma_wait3A_514 : memref<1x50x128xf32, #tpu.memory_space<vmem>> -> memref<50x128xf32, #tpu.memory_space<vmem>>
      %dma_wait3A_516 = arith.constant 0 : i32
      %dma_wait3A_517 = arith.constant 0 : i32
      %dma_wait3A_518 = tpu.memref_slice %arg5[%dma_wait3A_503, %dma_wait3A_516, %dma_wait3A_517] : memref<2x8x50xi32, #tpu.memory_space<vmem>> -> memref<1x8x50xi32, #tpu.memory_space<vmem>>
      %dma_wait3A_519 = tpu.memref_squeeze %dma_wait3A_518 : memref<1x8x50xi32, #tpu.memory_space<vmem>> -> memref<8x50xi32, #tpu.memory_space<vmem>>
      %dma_wait3A_520 = arith.constant 0 : i32
      %dma_wait3A_521 = tpu.memref_slice %dma_wait3A_519[%dma_wait3A_504, %dma_wait3A_520] : memref<8x50xi32, #tpu.memory_space<vmem>> -> memref<1x50xi32, #tpu.memory_space<vmem>>
      %dma_wait3A_522 = tpu.memref_squeeze %dma_wait3A_521 : memref<1x50xi32, #tpu.memory_space<vmem>> -> memref<50xi32, #tpu.memory_space<vmem>>
      %dma_wait3A_523 = arith.constant 0 : i32
      %dma_wait3A_524 = arith.constant 0 : i32
      %dma_wait3A_525 = tpu.memref_slice %arg7[%dma_wait3A_523, %dma_wait3A_524] : memref<1000x128xf32, #tpu.memory_space<vmem_shared>> -> memref<1000x128xf32, #tpu.memory_space<vmem_shared>>
      tpu.wait_indirect_dma semaphore(%arg9 : memref<!tpu.dma_semaphore, #tpu.memory_space<semaphore_mem>>) src(%dma_wait3A_525 : memref<1000x128xf32, #tpu.memory_space<vmem_shared>>) dst(%dma_wait3A_515 : memref<50x128xf32, #tpu.memory_space<vmem>>)
      %dma_wait3A_526 = arith.constant 1 : i32
      %dma_wait3A_527 = arith.constant 3 : i32
      %dma_wait3A_528 = arith.constant 1 : i32
      %dma_wait3A_529 = arith.constant 3 : i32
      %dma_wait3A_530 = arith.constant 0 : i32
      %dma_wait3A_531 = arith.constant 0 : i32
      %dma_wait3A_532 = arith.constant 0 : i32
      %dma_wait3A_533 = tpu.memref_slice %arg6[%dma_wait3A_528, %dma_wait3A_530, %dma_wait3A_531, %dma_wait3A_532] : memref<2x8x50x128xf32, #tpu.memory_space<vmem>> -> memref<1x8x50x128xf32, #tpu.memory_space<vmem>>
      %dma_wait3A_534 = tpu.memref_squeeze %dma_wait3A_533 : memref<1x8x50x128xf32, #tpu.memory_space<vmem>> -> memref<8x50x128xf32, #tpu.memory_space<vmem>>
      %dma_wait3A_535 = arith.constant 0 : i32
      %dma_wait3A_536 = arith.constant 0 : i32
      %dma_wait3A_537 = tpu.memref_slice %dma_wait3A_534[%dma_wait3A_529, %dma_wait3A_535, %dma_wait3A_536] : memref<8x50x128xf32, #tpu.memory_space<vmem>> -> memref<1x50x128xf32, #tpu.memory_space<vmem>>
      %dma_wait3A_538 = tpu.memref_squeeze %dma_wait3A_537 : memref<1x50x128xf32, #tpu.memory_space<vmem>> -> memref<50x128xf32, #tpu.memory_space<vmem>>
      %dma_wait3A_539 = arith.constant 0 : i32
      %dma_wait3A_540 = arith.constant 0 : i32
      %dma_wait3A_541 = tpu.memref_slice %arg5[%dma_wait3A_526, %dma_wait3A_539, %dma_wait3A_540] : memref<2x8x50xi32, #tpu.memory_space<vmem>> -> memref<1x8x50xi32, #tpu.memory_space<vmem>>
      %dma_wait3A_542 = tpu.memref_squeeze %dma_wait3A_541 : memref<1x8x50xi32, #tpu.memory_space<vmem>> -> memref<8x50xi32, #tpu.memory_space<vmem>>
      %dma_wait3A_543 = arith.constant 0 : i32
      %dma_wait3A_544 = tpu.memref_slice %dma_wait3A_542[%dma_wait3A_527, %dma_wait3A_543] : memref<8x50xi32, #tpu.memory_space<vmem>> -> memref<1x50xi32, #tpu.memory_space<vmem>>
      %dma_wait3A_545 = tpu.memref_squeeze %dma_wait3A_544 : memref<1x50xi32, #tpu.memory_space<vmem>> -> memref<50xi32, #tpu.memory_space<vmem>>
      %dma_wait3A_546 = arith.constant 0 : i32
      %dma_wait3A_547 = arith.constant 0 : i32
      %dma_wait3A_548 = tpu.memref_slice %arg7[%dma_wait3A_546, %dma_wait3A_547] : memref<1000x128xf32, #tpu.memory_space<vmem_shared>> -> memref<1000x128xf32, #tpu.memory_space<vmem_shared>>
      tpu.wait_indirect_dma semaphore(%arg9 : memref<!tpu.dma_semaphore, #tpu.memory_space<semaphore_mem>>) src(%dma_wait3A_548 : memref<1000x128xf32, #tpu.memory_space<vmem_shared>>) dst(%dma_wait3A_538 : memref<50x128xf32, #tpu.memory_space<vmem>>)
      %dma_wait3A_549 = arith.constant 1 : i32
      %dma_wait3A_550 = arith.constant 4 : i32
      %dma_wait3A_551 = arith.constant 1 : i32
      %dma_wait3A_552 = arith.constant 4 : i32
      %dma_wait3A_553 = arith.constant 0 : i32
      %dma_wait3A_554 = arith.constant 0 : i32
      %dma_wait3A_555 = arith.constant 0 : i32
      %dma_wait3A_556 = tpu.memref_slice %arg6[%dma_wait3A_551, %dma_wait3A_553, %dma_wait3A_554, %dma_wait3A_555] : memref<2x8x50x128xf32, #tpu.memory_space<vmem>> -> memref<1x8x50x128xf32, #tpu.memory_space<vmem>>
      %dma_wait3A_557 = tpu.memref_squeeze %dma_wait3A_556 : memref<1x8x50x128xf32, #tpu.memory_space<vmem>> -> memref<8x50x128xf32, #tpu.memory_space<vmem>>
      %dma_wait3A_558 = arith.constant 0 : i32
      %dma_wait3A_559 = arith.constant 0 : i32
      %dma_wait3A_560 = tpu.memref_slice %dma_wait3A_557[%dma_wait3A_552, %dma_wait3A_558, %dma_wait3A_559] : memref<8x50x128xf32, #tpu.memory_space<vmem>> -> memref<1x50x128xf32, #tpu.memory_space<vmem>>
      %dma_wait3A_561 = tpu.memref_squeeze %dma_wait3A_560 : memref<1x50x128xf32, #tpu.memory_space<vmem>> -> memref<50x128xf32, #tpu.memory_space<vmem>>
      %dma_wait3A_562 = arith.constant 0 : i32
      %dma_wait3A_563 = arith.constant 0 : i32
      %dma_wait3A_564 = tpu.memref_slice %arg5[%dma_wait3A_549, %dma_wait3A_562, %dma_wait3A_563] : memref<2x8x50xi32, #tpu.memory_space<vmem>> -> memref<1x8x50xi32, #tpu.memory_space<vmem>>
      %dma_wait3A_565 = tpu.memref_squeeze %dma_wait3A_564 : memref<1x8x50xi32, #tpu.memory_space<vmem>> -> memref<8x50xi32, #tpu.memory_space<vmem>>
      %dma_wait3A_566 = arith.constant 0 : i32
      %dma_wait3A_567 = tpu.memref_slice %dma_wait3A_565[%dma_wait3A_550, %dma_wait3A_566] : memref<8x50xi32, #tpu.memory_space<vmem>> -> memref<1x50xi32, #tpu.memory_space<vmem>>
      %dma_wait3A_568 = tpu.memref_squeeze %dma_wait3A_567 : memref<1x50xi32, #tpu.memory_space<vmem>> -> memref<50xi32, #tpu.memory_space<vmem>>
      %dma_wait3A_569 = arith.constant 0 : i32
      %dma_wait3A_570 = arith.constant 0 : i32
      %dma_wait3A_571 = tpu.memref_slice %arg7[%dma_wait3A_569, %dma_wait3A_570] : memref<1000x128xf32, #tpu.memory_space<vmem_shared>> -> memref<1000x128xf32, #tpu.memory_space<vmem_shared>>
      tpu.wait_indirect_dma semaphore(%arg9 : memref<!tpu.dma_semaphore, #tpu.memory_space<semaphore_mem>>) src(%dma_wait3A_571 : memref<1000x128xf32, #tpu.memory_space<vmem_shared>>) dst(%dma_wait3A_561 : memref<50x128xf32, #tpu.memory_space<vmem>>)
      %dma_wait3A_572 = arith.constant 1 : i32
      %dma_wait3A_573 = arith.constant 5 : i32
      %dma_wait3A_574 = arith.constant 1 : i32
      %dma_wait3A_575 = arith.constant 5 : i32
      %dma_wait3A_576 = arith.constant 0 : i32
      %dma_wait3A_577 = arith.constant 0 : i32
      %dma_wait3A_578 = arith.constant 0 : i32
      %dma_wait3A_579 = tpu.memref_slice %arg6[%dma_wait3A_574, %dma_wait3A_576, %dma_wait3A_577, %dma_wait3A_578] : memref<2x8x50x128xf32, #tpu.memory_space<vmem>> -> memref<1x8x50x128xf32, #tpu.memory_space<vmem>>
      %dma_wait3A_580 = tpu.memref_squeeze %dma_wait3A_579 : memref<1x8x50x128xf32, #tpu.memory_space<vmem>> -> memref<8x50x128xf32, #tpu.memory_space<vmem>>
      %dma_wait3A_581 = arith.constant 0 : i32
      %dma_wait3A_582 = arith.constant 0 : i32
      %dma_wait3A_583 = tpu.memref_slice %dma_wait3A_580[%dma_wait3A_575, %dma_wait3A_581, %dma_wait3A_582] : memref<8x50x128xf32, #tpu.memory_space<vmem>> -> memref<1x50x128xf32, #tpu.memory_space<vmem>>
      %dma_wait3A_584 = tpu.memref_squeeze %dma_wait3A_583 : memref<1x50x128xf32, #tpu.memory_space<vmem>> -> memref<50x128xf32, #tpu.memory_space<vmem>>
      %dma_wait3A_585 = arith.constant 0 : i32
      %dma_wait3A_586 = arith.constant 0 : i32
      %dma_wait3A_587 = tpu.memref_slice %arg5[%dma_wait3A_572, %dma_wait3A_585, %dma_wait3A_586] : memref<2x8x50xi32, #tpu.memory_space<vmem>> -> memref<1x8x50xi32, #tpu.memory_space<vmem>>
      %dma_wait3A_588 = tpu.memref_squeeze %dma_wait3A_587 : memref<1x8x50xi32, #tpu.memory_space<vmem>> -> memref<8x50xi32, #tpu.memory_space<vmem>>
      %dma_wait3A_589 = arith.constant 0 : i32
      %dma_wait3A_590 = tpu.memref_slice %dma_wait3A_588[%dma_wait3A_573, %dma_wait3A_589] : memref<8x50xi32, #tpu.memory_space<vmem>> -> memref<1x50xi32, #tpu.memory_space<vmem>>
      %dma_wait3A_591 = tpu.memref_squeeze %dma_wait3A_590 : memref<1x50xi32, #tpu.memory_space<vmem>> -> memref<50xi32, #tpu.memory_space<vmem>>
      %dma_wait3A_592 = arith.constant 0 : i32
      %dma_wait3A_593 = arith.constant 0 : i32
      %dma_wait3A_594 = tpu.memref_slice %arg7[%dma_wait3A_592, %dma_wait3A_593] : memref<1000x128xf32, #tpu.memory_space<vmem_shared>> -> memref<1000x128xf32, #tpu.memory_space<vmem_shared>>
      tpu.wait_indirect_dma semaphore(%arg9 : memref<!tpu.dma_semaphore, #tpu.memory_space<semaphore_mem>>) src(%dma_wait3A_594 : memref<1000x128xf32, #tpu.memory_space<vmem_shared>>) dst(%dma_wait3A_584 : memref<50x128xf32, #tpu.memory_space<vmem>>)
      %dma_wait3A_595 = arith.constant 1 : i32
      %dma_wait3A_596 = arith.constant 6 : i32
      %dma_wait3A_597 = arith.constant 1 : i32
      %dma_wait3A_598 = arith.constant 6 : i32
      %dma_wait3A_599 = arith.constant 0 : i32
      %dma_wait3A_600 = arith.constant 0 : i32
      %dma_wait3A_601 = arith.constant 0 : i32
      %dma_wait3A_602 = tpu.memref_slice %arg6[%dma_wait3A_597, %dma_wait3A_599, %dma_wait3A_600, %dma_wait3A_601] : memref<2x8x50x128xf32, #tpu.memory_space<vmem>> -> memref<1x8x50x128xf32, #tpu.memory_space<vmem>>
      %dma_wait3A_603 = tpu.memref_squeeze %dma_wait3A_602 : memref<1x8x50x128xf32, #tpu.memory_space<vmem>> -> memref<8x50x128xf32, #tpu.memory_space<vmem>>
      %dma_wait3A_604 = arith.constant 0 : i32
      %dma_wait3A_605 = arith.constant 0 : i32
      %dma_wait3A_606 = tpu.memref_slice %dma_wait3A_603[%dma_wait3A_598, %dma_wait3A_604, %dma_wait3A_605] : memref<8x50x128xf32, #tpu.memory_space<vmem>> -> memref<1x50x128xf32, #tpu.memory_space<vmem>>
      %dma_wait3A_607 = tpu.memref_squeeze %dma_wait3A_606 : memref<1x50x128xf32, #tpu.memory_space<vmem>> -> memref<50x128xf32, #tpu.memory_space<vmem>>
      %dma_wait3A_608 = arith.constant 0 : i32
      %dma_wait3A_609 = arith.constant 0 : i32
      %dma_wait3A_610 = tpu.memref_slice %arg5[%dma_wait3A_595, %dma_wait3A_608, %dma_wait3A_609] : memref<2x8x50xi32, #tpu.memory_space<vmem>> -> memref<1x8x50xi32, #tpu.memory_space<vmem>>
      %dma_wait3A_611 = tpu.memref_squeeze %dma_wait3A_610 : memref<1x8x50xi32, #tpu.memory_space<vmem>> -> memref<8x50xi32, #tpu.memory_space<vmem>>
      %dma_wait3A_612 = arith.constant 0 : i32
      %dma_wait3A_613 = tpu.memref_slice %dma_wait3A_611[%dma_wait3A_596, %dma_wait3A_612] : memref<8x50xi32, #tpu.memory_space<vmem>> -> memref<1x50xi32, #tpu.memory_space<vmem>>
      %dma_wait3A_614 = tpu.memref_squeeze %dma_wait3A_613 : memref<1x50xi32, #tpu.memory_space<vmem>> -> memref<50xi32, #tpu.memory_space<vmem>>
      %dma_wait3A_615 = arith.constant 0 : i32
      %dma_wait3A_616 = arith.constant 0 : i32
      %dma_wait3A_617 = tpu.memref_slice %arg7[%dma_wait3A_615, %dma_wait3A_616] : memref<1000x128xf32, #tpu.memory_space<vmem_shared>> -> memref<1000x128xf32, #tpu.memory_space<vmem_shared>>
      tpu.wait_indirect_dma semaphore(%arg9 : memref<!tpu.dma_semaphore, #tpu.memory_space<semaphore_mem>>) src(%dma_wait3A_617 : memref<1000x128xf32, #tpu.memory_space<vmem_shared>>) dst(%dma_wait3A_607 : memref<50x128xf32, #tpu.memory_space<vmem>>)
      %dma_wait3A_618 = arith.constant 1 : i32
      %dma_wait3A_619 = arith.constant 7 : i32
      %dma_wait3A_620 = arith.constant 1 : i32
      %dma_wait3A_621 = arith.constant 7 : i32
      %dma_wait3A_622 = arith.constant 0 : i32
      %dma_wait3A_623 = arith.constant 0 : i32
      %dma_wait3A_624 = arith.constant 0 : i32
      %dma_wait3A_625 = tpu.memref_slice %arg6[%dma_wait3A_620, %dma_wait3A_622, %dma_wait3A_623, %dma_wait3A_624] : memref<2x8x50x128xf32, #tpu.memory_space<vmem>> -> memref<1x8x50x128xf32, #tpu.memory_space<vmem>>
      %dma_wait3A_626 = tpu.memref_squeeze %dma_wait3A_625 : memref<1x8x50x128xf32, #tpu.memory_space<vmem>> -> memref<8x50x128xf32, #tpu.memory_space<vmem>>
      %dma_wait3A_627 = arith.constant 0 : i32
      %dma_wait3A_628 = arith.constant 0 : i32
      %dma_wait3A_629 = tpu.memref_slice %dma_wait3A_626[%dma_wait3A_621, %dma_wait3A_627, %dma_wait3A_628] : memref<8x50x128xf32, #tpu.memory_space<vmem>> -> memref<1x50x128xf32, #tpu.memory_space<vmem>>
      %dma_wait3A_630 = tpu.memref_squeeze %dma_wait3A_629 : memref<1x50x128xf32, #tpu.memory_space<vmem>> -> memref<50x128xf32, #tpu.memory_space<vmem>>
      %dma_wait3A_631 = arith.constant 0 : i32
      %dma_wait3A_632 = arith.constant 0 : i32
      %dma_wait3A_633 = tpu.memref_slice %arg5[%dma_wait3A_618, %dma_wait3A_631, %dma_wait3A_632] : memref<2x8x50xi32, #tpu.memory_space<vmem>> -> memref<1x8x50xi32, #tpu.memory_space<vmem>>
      %dma_wait3A_634 = tpu.memref_squeeze %dma_wait3A_633 : memref<1x8x50xi32, #tpu.memory_space<vmem>> -> memref<8x50xi32, #tpu.memory_space<vmem>>
      %dma_wait3A_635 = arith.constant 0 : i32
      %dma_wait3A_636 = tpu.memref_slice %dma_wait3A_634[%dma_wait3A_619, %dma_wait3A_635] : memref<8x50xi32, #tpu.memory_space<vmem>> -> memref<1x50xi32, #tpu.memory_space<vmem>>
      %dma_wait3A_637 = tpu.memref_squeeze %dma_wait3A_636 : memref<1x50xi32, #tpu.memory_space<vmem>> -> memref<50xi32, #tpu.memory_space<vmem>>
      %dma_wait3A_638 = arith.constant 0 : i32
      %dma_wait3A_639 = arith.constant 0 : i32
      %dma_wait3A_640 = tpu.memref_slice %arg7[%dma_wait3A_638, %dma_wait3A_639] : memref<1000x128xf32, #tpu.memory_space<vmem_shared>> -> memref<1000x128xf32, #tpu.memory_space<vmem_shared>>
      tpu.wait_indirect_dma semaphore(%arg9 : memref<!tpu.dma_semaphore, #tpu.memory_space<semaphore_mem>>) src(%dma_wait3A_640 : memref<1000x128xf32, #tpu.memory_space<vmem_shared>>) dst(%dma_wait3A_630 : memref<50x128xf32, #tpu.memory_space<vmem>>)
      %mul3A_641 = arith.constant 8 : i32
      %mul3A_642 = arith.muli %add3A_449, %mul3A_641 : i32
      %add3A_643 = arith.addi %mul3A_2, %mul3A_642 : i32
      %dma_start3A_644 = arith.constant 1 : i32
      %dma_start3A_645 = arith.constant 0 : i32
      %dma_start3A_646 = arith.constant 0 : i32
      %dma_start3A_647 = arith.constant 0 : i32
      %dma_start3A_648 = tpu.memref_slice %arg6[%dma_start3A_644, %dma_start3A_645, %dma_start3A_646, %dma_start3A_647] : memref<2x8x50x128xf32, #tpu.memory_space<vmem>> -> memref<1x8x50x128xf32, #tpu.memory_space<vmem>>
      %dma_start3A_649 = tpu.memref_squeeze %dma_start3A_648 : memref<1x8x50x128xf32, #tpu.memory_space<vmem>> -> memref<8x50x128xf32, #tpu.memory_space<vmem>>
      %dma_start3A_650 = arith.constant 0 : i32
      %dma_start3A_651 = arith.constant 0 : i32
      %dma_start3A_652 = tpu.memref_slice %arg4[%add3A_643, %dma_start3A_650, %dma_start3A_651] : memref<16384x50x128xf32, #tpu.memory_space<hbm>> -> memref<8x50x128xf32, #tpu.memory_space<hbm>>
      %dma_start3A_653 = arith.constant 0 : i32
      %dma_start3A_654 = arith.constant 0 : i32
      %dma_start3A_655 = tpu.memref_slice %arg4[%add3A_643, %dma_start3A_653, %dma_start3A_654] : memref<16384x50x128xf32, #tpu.memory_space<hbm>> -> memref<8x50x128xf32, #tpu.memory_space<hbm>>
      %dma_start3A_656 = arith.constant 0 : i32
      %dma_start3A_657 = arith.constant 0 : i32
      %dma_start3A_658 = arith.constant 0 : i32
      %dma_start3A_659 = tpu.memref_slice %arg6[%dma_start3A_644, %dma_start3A_656, %dma_start3A_657, %dma_start3A_658] : memref<2x8x50x128xf32, #tpu.memory_space<vmem>> -> memref<1x8x50x128xf32, #tpu.memory_space<vmem>>
      %dma_start3A_660 = tpu.memref_squeeze %dma_start3A_659 : memref<1x8x50x128xf32, #tpu.memory_space<vmem>> -> memref<8x50x128xf32, #tpu.memory_space<vmem>>
      tpu.enqueue_dma source(%dma_start3A_660 : memref<8x50x128xf32, #tpu.memory_space<vmem>>) target(%dma_start3A_655 : memref<8x50x128xf32, #tpu.memory_space<hbm>>) target_semaphore(%arg11 : memref<!tpu.dma_semaphore, #tpu.memory_space<semaphore_mem>>)
    }
    %scan3A_193 = arith.constant 32 : i32
    %dma_wait3A = arith.constant 0 : i32
    %dma_wait3A_194 = arith.constant 0 : i32
    %dma_wait3A_195 = arith.constant 0 : i32
    %dma_wait3A_196 = arith.constant 0 : i32
    %dma_wait3A_197 = tpu.memref_slice %arg6[%dma_wait3A, %dma_wait3A_194, %dma_wait3A_195, %dma_wait3A_196] : memref<2x8x50x128xf32, #tpu.memory_space<vmem>> -> memref<1x8x50x128xf32, #tpu.memory_space<vmem>>
    %dma_wait3A_198 = tpu.memref_squeeze %dma_wait3A_197 : memref<1x8x50x128xf32, #tpu.memory_space<vmem>> -> memref<8x50x128xf32, #tpu.memory_space<vmem>>
    %dma_wait3A_199 = arith.constant 0 : i32
    %dma_wait3A_200 = arith.constant 0 : i32
    %dma_wait3A_201 = tpu.memref_slice %arg4[%mul3A_2, %dma_wait3A_199, %dma_wait3A_200] : memref<16384x50x128xf32, #tpu.memory_space<hbm>> -> memref<8x50x128xf32, #tpu.memory_space<hbm>>
    %dma_wait3A_202 = arith.constant 0 : i32
    %dma_wait3A_203 = arith.constant 0 : i32
    %dma_wait3A_204 = tpu.memref_slice %arg4[%mul3A_2, %dma_wait3A_202, %dma_wait3A_203] : memref<16384x50x128xf32, #tpu.memory_space<hbm>> -> memref<8x50x128xf32, #tpu.memory_space<hbm>>
    %dma_wait3A_205 = arith.constant 0 : i32
    %dma_wait3A_206 = arith.constant 0 : i32
    %dma_wait3A_207 = arith.constant 0 : i32
    %dma_wait3A_208 = tpu.memref_slice %arg6[%dma_wait3A, %dma_wait3A_205, %dma_wait3A_206, %dma_wait3A_207] : memref<2x8x50x128xf32, #tpu.memory_space<vmem>> -> memref<1x8x50x128xf32, #tpu.memory_space<vmem>>
    %dma_wait3A_209 = tpu.memref_squeeze %dma_wait3A_208 : memref<1x8x50x128xf32, #tpu.memory_space<vmem>> -> memref<8x50x128xf32, #tpu.memory_space<vmem>>
    tpu.wait_dma2 semaphore(%arg10 : memref<!tpu.dma_semaphore, #tpu.memory_space<semaphore_mem>>) src(%dma_wait3A_209 : memref<8x50x128xf32, #tpu.memory_space<vmem>>) dst(%dma_wait3A_204 : memref<8x50x128xf32, #tpu.memory_space<hbm>>)
    %dma_wait3A_210 = arith.constant 1 : i32
    %dma_wait3A_211 = arith.constant 0 : i32
    %dma_wait3A_212 = arith.constant 0 : i32
    %dma_wait3A_213 = arith.constant 0 : i32
    %dma_wait3A_214 = tpu.memref_slice %arg6[%dma_wait3A_210, %dma_wait3A_211, %dma_wait3A_212, %dma_wait3A_213] : memref<2x8x50x128xf32, #tpu.memory_space<vmem>> -> memref<1x8x50x128xf32, #tpu.memory_space<vmem>>
    %dma_wait3A_215 = tpu.memref_squeeze %dma_wait3A_214 : memref<1x8x50x128xf32, #tpu.memory_space<vmem>> -> memref<8x50x128xf32, #tpu.memory_space<vmem>>
    %dma_wait3A_216 = arith.constant 0 : i32
    %dma_wait3A_217 = arith.constant 0 : i32
    %dma_wait3A_218 = tpu.memref_slice %arg4[%mul3A_2, %dma_wait3A_216, %dma_wait3A_217] : memref<16384x50x128xf32, #tpu.memory_space<hbm>> -> memref<8x50x128xf32, #tpu.memory_space<hbm>>
    %dma_wait3A_219 = arith.constant 0 : i32
    %dma_wait3A_220 = arith.constant 0 : i32
    %dma_wait3A_221 = tpu.memref_slice %arg4[%mul3A_2, %dma_wait3A_219, %dma_wait3A_220] : memref<16384x50x128xf32, #tpu.memory_space<hbm>> -> memref<8x50x128xf32, #tpu.memory_space<hbm>>
    %dma_wait3A_222 = arith.constant 0 : i32
    %dma_wait3A_223 = arith.constant 0 : i32
    %dma_wait3A_224 = arith.constant 0 : i32
    %dma_wait3A_225 = tpu.memref_slice %arg6[%dma_wait3A_210, %dma_wait3A_222, %dma_wait3A_223, %dma_wait3A_224] : memref<2x8x50x128xf32, #tpu.memory_space<vmem>> -> memref<1x8x50x128xf32, #tpu.memory_space<vmem>>
    %dma_wait3A_226 = tpu.memref_squeeze %dma_wait3A_225 : memref<1x8x50x128xf32, #tpu.memory_space<vmem>> -> memref<8x50x128xf32, #tpu.memory_space<vmem>>
    tpu.wait_dma2 semaphore(%arg11 : memref<!tpu.dma_semaphore, #tpu.memory_space<semaphore_mem>>) src(%dma_wait3A_226 : memref<8x50x128xf32, #tpu.memory_space<vmem>>) dst(%dma_wait3A_221 : memref<8x50x128xf32, #tpu.memory_space<hbm>>)
    return
  }
}

</mosaic_0001>

<sc_bundles>
// kernel: kernel.3.cloned.1.call-start
scs
__scs_entry_jumppad:
0x0: {  	(pc) =	sbr.rel $0x88, $3  }
0x1: {  	(tag) =	ssettag $0x0;
	lr =	simm.s32 $0x1  }
0x2: {  	[smem:$0x3F9F] =	sst lr;
	_ =	strace $0xD0000000  }
0x3: {  	_ = 	snop  }
0x4: {  	_ = 	snop  }
0x5: {  	_ = 	snop  }
0x6: {  	_ = 	snop  }
0x7: {  	_ = 	snop  }
__scs_overlays_trampoline_lowered:
0x8: {  	[smem:$0x3FAE] =	sst s0  }
0x9: {  	[smem:$0x3FAF] =	sst s1  }
0xa: {  	[smem:$0x3FB0] =	sst s2  }
0xb: {  	[smem:$0x3FB1] =	sst s3  }
0xc: {  	[smem:$0x3FB2] =	sst s4  }
0xd: {  	[smem:$0x3FB3] =	sst s5  }
0xe: {  	[smem:$0x3FB4] =	sst s6  }
0xf: {  	[smem:$0x3FB5] =	sst s7  }
0x10: {  	[smem:$0x3FB6] =	sst s8  }
0x11: {  	[smem:$0x3FB7] =	sst s9;
	s0 =	simm.s32 @!p0 $0x0  }
0x12: {  	s1 =	sld [smem:$0x3F9D];
	s0 =	simm.s32 @p0 $0x1  }
0x13: {  	[smem:$0x3FB8] =	sst s0;
	s0 =	simm.s32 @!p1 $0x0  }
0x14: {  	s2 =	sld [smem:$0x3F9C];
	s0 =	simm.s32 @p1 $0x1  }
0x15: {  	[smem:$0x3FB9] =	sst s0;
	s0 =	simm.s32 @!p2 $0x0  }
0x16: {  	s3 =	sld [smem:$0x3FDB];
	s0 =	simm.s32 @p2 $0x1  }
0x17: {  	s4 =	simm.s32 $0x1BF5;
	[smem:$0x3FBB] =	sst s0  }
0x18: {  	s0 =	sld [smem:$0x3F9E];
	_ =	swait.ge [sflag:s4], $0x0  }
0x19: {  	s7 =	sld [smem:$0x3F9F]  }
0x1a: {  	s8 =	sadd.s32 $0xFFFFE003, lr  }
0x1b: {  	s9 =	sadd.s32 $0xFFFFFEF7, lr;
	s5 =	simm.s32 $0xFFFFFFFF;
	p2 =	slt.u32 s8, $0xFFFFF086  }
0x1c: {  	p1 =	slt.u32 s9, $0xF7A;
	s5 =	simm.s32 @!p2 $0x0  }
0x1d: {  	s5 =	simm.s32 @p1 $0x1;
	p0 =	seq.s32 s7, s2  }
0x1e: {  	s7 =	smul.u32 @!p0 $0xF7A, s2;
	p2 =	seq.s32 @!p0 s5, $0x0  }
0x1f: {  	s9 =	smul.u32 $0xF7A, s1;
	s8 =	simm.s32 @!p0 $0x1BF5;
	p2 =	por !p2, p0  }
0x20: {  	[sflag:s8] =	ssyncset.s32 @!p0 $0xFFFFF086;
	s6 =	sadd.s32 @!p0 s3, s7;
	s7 =	simm.s32 @!p0 $0x108  }
0x21: {  	s3 =	sadd.s32 s3, s9;
	s6 =	sadd.s32 @!p0 $0x88, s6;
	s7 =	simm.s32 @p2 $0x1082  }
0x22: {  	[simem:s7], [sflag:s8] =	dma.local @!p0 [hbm:s6], $0xF7A  }
0x23: {  	s9 =	sor.u32 $0xD0000000, s2;
	s6 =	simm.s32 $0x108;
	_ =	swait.ge @!p0 [sflag:s8], $0x0  }
0x24: {  	s3 =	sadd.s32 $0x88, s3;
	s6 =	simm.s32 @!p1 $0x1082;
	[sflag:s4] =	ssyncset.s32 $0xFFFFF086  }
0x25: {  	[simem:s6], [sflag:s4] =	dma.local [hbm:s3], $0xF7A  }
0x26: {  	[smem:$0x3F9F] =	sst s1;
	(tag) =	ssettag s2;
	_ =	strace s9  }
0x27: {  	s1 =	sld [smem:$0x3FAF]  }
0x28: {  	s2 =	sld [smem:$0x3FB0]  }
0x29: {  	s4 =	sld [smem:$0x3FB2]  }
0x2a: {  	p0 =	seq.s32 s5, $0x0;
	s5 =	sld [smem:$0x3FB3]  }
0x2b: {  	s6 =	sld [smem:$0x3FB4]  }
0x2c: {  	s7 =	sld [smem:$0x3FB5]  }
0x2d: {  	s3 =	simm.s32 $0x108;
	s8 =	sld [smem:$0x3FB6]  }
0x2e: {  	s3 =	simm.s32 @!p0 $0x1082;
	s9 =	sld [smem:$0x3FB7]  }
0x2f: {  	lr =	sadd.s32 s0, s3;
	s0 =	sld [smem:$0x3FAE]  }
0x30: {  	s3 =	sld [smem:$0x3FB1]  }
0x31: {  	[smem:$0x3FBA] =	sst s10  }
0x32: {  	s10 =	sld [smem:$0x3FB8];
	_ =	sdelay $0x3  }
0x33: {  	p0 =	seq.s32 s10, $0x1;
	s10 =	sld [smem:$0x3FBA];
	_ =	sdelay $0x3  }
0x34: {  	[smem:$0x3FBA] =	sst s10  }
0x35: {  	s10 =	sld [smem:$0x3FB9];
	_ =	sdelay $0x3  }
0x36: {  	p1 =	seq.s32 s10, $0x1;
	s10 =	sld [smem:$0x3FBA];
	_ =	sdelay $0x3  }
0x37: {  	[smem:$0x3FBA] =	sst s10  }
0x38: {  	s10 =	sld [smem:$0x3FBB]  }
0x39: {  	_ = 	snop;
	(pc) =	sbr.ind lr, $3  }
0x3a: {  	_ = 	snop  }
0x3b: {  	_ = 	snop  }
0x3c: {  	p2 =	seq.s32 s10, $0x1;
	s10 =	sld [smem:$0x3FBA]  }
0x3d: {  	_ =	shalt  }
0x3e: {  	_ =	shalt  }
0x3f: {  	_ =	shalt  }
0x40: {  	_ =	shalt  }
0x41: {  	_ =	shalt  }
0x42: {  	_ =	shalt  }
0x43: {  	_ =	shalt  }
0x44: {  	_ =	shalt  }
0x45: {  	_ =	shalt  }
0x46: {  	_ =	shalt  }
0x47: {  	_ =	shalt  }
0x48: {  	_ =	shalt  }
0x49: {  	_ =	shalt  }
0x4a: {  	_ =	shalt  }
0x4b: {  	_ =	shalt  }
0x4c: {  	_ =	shalt  }
0x4d: {  	_ =	shalt  }
0x4e: {  	_ =	shalt  }
0x4f: {  	_ =	shalt  }
0x50: {  	_ =	shalt  }
0x51: {  	_ =	shalt  }
0x52: {  	_ =	shalt  }
0x53: {  	_ =	shalt  }
0x54: {  	_ =	shalt  }
0x55: {  	_ =	shalt  }
0x56: {  	_ =	shalt  }
0x57: {  	_ =	shalt  }
0x58: {  	_ =	shalt  }
0x59: {  	_ =	shalt  }
0x5a: {  	_ =	shalt  }
0x5b: {  	_ =	shalt  }
0x5c: {  	_ =	shalt  }
0x5d: {  	_ =	shalt  }
0x5e: {  	_ =	shalt  }
0x5f: {  	_ =	shalt  }
0x60: {  	_ =	shalt  }
0x61: {  	_ =	shalt  }
0x62: {  	_ =	shalt  }
0x63: {  	_ =	shalt  }
0x64: {  	_ =	shalt  }
0x65: {  	_ =	shalt  }
0x66: {  	_ =	shalt  }
0x67: {  	_ =	shalt  }
0x68: {  	_ =	shalt  }
0x69: {  	_ =	shalt  }
0x6a: {  	_ =	shalt  }
0x6b: {  	_ =	shalt  }
0x6c: {  	_ =	shalt  }
0x6d: {  	_ =	shalt  }
0x6e: {  	_ =	shalt  }
0x6f: {  	_ =	shalt  }
0x70: {  	_ =	shalt  }
0x71: {  	_ =	shalt  }
0x72: {  	_ =	shalt  }
0x73: {  	_ =	shalt  }
0x74: {  	_ =	shalt  }
0x75: {  	_ =	shalt  }
0x76: {  	_ =	shalt  }
0x77: {  	_ =	shalt  }
0x78: {  	_ =	shalt  }
0x79: {  	_ =	shalt  }
0x7a: {  	_ =	shalt  }
0x7b: {  	_ =	shalt  }
0x7c: {  	_ =	shalt  }
0x7d: {  	_ =	shalt  }
0x7e: {  	_ =	shalt  }
0x7f: {  	_ =	shalt  }
0x80: {  	_ =	shalt  }
0x81: {  	_ =	shalt  }
0x82: {  	_ =	shalt  }
0x83: {  	_ =	shalt  }
0x84: {  	_ =	shalt  }
0x85: {  	_ =	shalt  }
0x86: {  	_ =	shalt  }
0x87: {  	_ =	shalt  }
.Lfunc_end0:
.L_simem_size_0:
called_computation_lowered:
.L_overlay_start_0:
0x88: {  	s2 =	sld [smem:$0x3FD9]  }
0x89: {  	s3 =	sld [smem:$0x3FFE];
	_ =	sdelay $0x1  }
0x8a: {  	s1 =	srdreg.scid  }
0x8b: {  	s0 =	sand.u32 $0x1, s1  }
0x8c: {  	s17 =	sshll.u32 s0, $0xA;
	s2 =	sadd.s32 s3, s2  }
0x8d: {  	s2 =	sadd.s32 s2, s17  }
0x8e: {  	[smem:$0x3FC6] =	sst s2  }
0x8f: {  	_ = 	snop  }
0x90: {  	s2 =	sld [smem:$0x3FC8]  }
0x91: {  	s18 =	sld [smem:$0x3FD0];
	(tm) =	ssettm $0x1  }
0x92: {  	s4 =	sld [smem:$0x3FFB];
	_ =	sdelay $0x3  }
0x93: {  	_ =	strace s4  }
0x94: {  	s4 =	sld [smem:$0x3FFC];
	_ =	sdelay $0x3  }
0x95: {  	_ =	strace s4  }
0x96: {  	s4 =	sld [smem:$0x3FFD];
	_ =	sdelay $0x3  }
0x97: {  	_ =	strace s4  }
0x98: {  	_ =	strace $0x8FFFFFFF  }
0x99: {  	s19 =	sld [smem:$0x3FDB];
	_ =	sdelay $0x1  }
0x9a: {  	s5 =	simm.s32 $_scs_section_size  }
0x9b: {  	s6 =	simm.s32 $_size__tile_overlayer_lowered;
	s7 =	simm.s32 $_tile_overlayer_lowered  }
0x9c: {  	s22 =	simm.s32 $0x1BFF;
	s21 =	sshll.u32 s7, $0x1;
	s4 =	sadd.s32 s5, s19  }
0x9d: {  	s8 =	simm.s32 $0x0;
	s20 =	sshll.u32 s6, $0x1;
	s6 =	sadd.s32 s21, s4  }
0x9e: {  	[timem:s8], [sflag:s22] =	dma.local [hbm:s6], s20  }
0x9f: {  	_ =	swait.ge [sflag:s22], s20  }
0xa0: {  	s5 =	ssub.s32 $0x0, s20;
	[sflag:s22] =	ssyncset.done $0x0  }
0xa1: {  	[sflag:s22] =	ssyncadd.s32 s5;
	_ =	sdelay $0x1  }
0xa2: {  	s23 =	simm.s32 $0x1B8B  }
0xa3: {  	_ =	swait.ge [sflag:s23], $0x1  }
0xa4: {  	[sflag:s23] =	ssyncset.done $0x0  }
0xa5: {  	s25 =	simm.s32 $0x1B8E;
	s24 =	sld [smem:$0x3FFE];
	[sflag:s23] =	ssyncadd.s32 $0xFFFFFFFF  }
0xa6: {  	s26 =	simm.s32 $execute0_lowered;
	[smem:$0x3FD2] =	sst s25  }
0xa7: {  	s6 =	sshll.u32 s26, $0x1;
	_ =	strace $0x80000046;
	[dreg:$0x1] =	wrdreg $0xFFFFFFFF  }
0xa8: {  	s28 =	simm.s32 $_size_execute0_lowered;
	s4 =	sadd.s32 s4, s6;
	[dreg:$0x0] =	wrdreg $0x0  }
0xa9: {  	s6 =	sshll.u32 s28, $0x1;
	[dreg:$0x2] =	wrdreg s4  }
0xaa: {  	[dreg:$0x3] =	wrdreg s6  }
0xab: {  	[dreg:$0x4] =	wrdreg $0xC0  }
0xac: {  	_ =	task [dreg:s8], $0x5FFFF  }
0xad: {  	[dreg:$0x1] =	wrdreg $0xFFFFFFFF  }
0xae: {  	[dreg:$0x0] =	wrdreg $0x60  }
0xaf: {  	[dreg:$0x2] =	wrdreg s18  }
0xb0: {  	[dreg:$0x3] =	wrdreg s2  }
0xb1: {  	[dreg:$0x4] =	wrdreg s24  }
0xb2: {  	[dreg:$0x5] =	wrdreg $0x1C8000  }
0xb3: {  	[dreg:$0x6] =	wrdreg $0x9  }
0xb4: {  	_ =	task.clear_ibuf [dreg:s8], $0x7FFFF;
	_ =	strace $0x90000046  }
0xb5: {  	s29 =	simm.s32 $0x9;
	_ =	strace $0x80000048  }
0xb6: {  	_ =	swait.ge [sflag:s29], $0x1  }
0xb7: {  	[sflag:s29] =	ssyncadd.s32 $0xFFFFFFFF  }
0xb8: {  	_ =	strace $0x90000048  }
0xb9: {  	_ =	sfence  }
0xba: {  	s30 =	sld [smem:$0x0];
	_ =	sdelay $0x2  }
0xbb: {  	s31 =	sshll.u32 s1, $0xD;
	s1 =	sshrl.u32 s1, $0x2  }
0xbc: {  	s3 =	sand.u32 $0x4000, s31;
	s1 =	sadd.s32 s1, s30  }
0xbd: {  	s0 =	sor.u32 s3, s0;
	s1 =	sshll.u32 s1, $0x11  }
0xbe: {  	s0 =	sor.u32 s1, s0  }
0xbf: {  	s0 =	sadd.s32 $0x8F2B, s0  }
0xc0: {  	[sflag:s0] =	ssyncadd.remote.s32 $0x1  }
0xc1: {  	_ =	sfence.sel $0xFFFF  }
0xc2: {  	[dreg:$0x0] =	wrdreg $0xFFFFFFFF;
	(pc) =	sbr.abs _section_cstart, $3  }
0xc3: {  	[dreg:$0x1] =	wrdreg $0xFFFFFFFF  }
0xc4: {  	_ =	task.clear_ibuf [dreg:s8], $0x2FFFF;
	_ =	strace $0x9FFFFFFF  }
0xc5: {  	(tm) =	ssettm $0x7FFFFFFF  }
tec
execute0_lowered:
.L_overlay_start_1:
0x0: {  	(tag) =	ssettag $0x1  }
0x1: {  	s0 =	rddreg [dreg:$0x0]  }
0x2: {  	s1 =	rddreg [dreg:$0x2]  }
0x3: {  	s2 =	rddreg [dreg:$0x3]  }
0x4: {  	s3 =	simm.s32 $0x0;
	s4 =	stileid.u32;
	s5 =	srdreg.scid  }
0x5: {  	s20 =	simm.s32 $0x480;
	s21 =	simm.s32 $0x500;
	s22 =	simm.s32 $0x580  }
0x6: {  	s23 =	simm.s32 $0x600;
	s24 =	simm.s32 $0x680;
	s25 =	simm.s32 $0x700  }
0x7: {  	s26 =	simm.s32 $0x780;
	s28 =	simm.s32 $0x10400;
	s29 =	simm.s32 $0x12000  }
0x8: {  	s30 =	simm.s32 $0x13C00;
	s31 =	simm.s32 $0x15800;
	[smem:$0x7FF] =	sst s3  }
0x9: {  	s13 =	simm.s32 $0x1;
	_ =	strace $0x80000047;
	[dreg:$0x6] =	wrdreg s20  }
0xa: {  	s15 =	simm.s32 $0x2;
	s14 =	simm.s32 $0x800;
	[dreg:$0x7] =	wrdreg s21  }
0xb: {  	s16 =	simm.s32 $0x2400;
	s6 =	smul.u32 $0xE0000, s4;
	[dreg:$0x8] =	wrdreg s22  }
0xc: {  	s5 =	sand.u32 $0x1, s5;
	s8 =	sshll.u32 s4, $0xE;
	[dreg:$0x9] =	wrdreg s23  }
0xd: {  	p0 =	sne.s32 s4, $0x0;
	s7 =	ssub.s32 $0x2, s5;
	[dreg:$0xa] =	wrdreg s24  }
0xe: {  	s9 =	sshll.u32 s5, $0xD;
	s5 =	smul.u32 $0x70000, s5;
	[dreg:$0xb] =	wrdreg s25  }
0xf: {  	[dreg:$0xc] =	wrdreg s26;
	s25 =	simm.s32 $0x400;
	s26 =	simm.s32 $0xE800  }
0x10: {  	s20 =	simm.s32 $0x5C00;
	s22 =	simm.s32 $0x7800;
	s24 =	simm.s32 $0x9400  }
0x11: {  	s10 =	sshrl.u32 s7, $0x1;
	s11 =	sor.u32 s9, s8;
	s1 =	sadd.s32 s6, s1  }
0x12: {  	s18 =	ssub.s32 s7, s10;
	s19 =	sadd.s32 s0, s11;
	s1 =	sadd.s32 s5, s1  }
0x13: {  	s0 =	sadd.s32 s8, s0;
	s8 =	simm.s32 $0x5;
	s11 =	simm.s32 $0x1AC00  }
0x14: {  	[dreg:$0xd] =	wrdreg s19;
	s6 =	smax.u32 s18, $0x1;
	s1 =	sadd.s32 $0x400, s1  }
0x15: {  	s0 =	sadd.s32 s9, s0;
	s9 =	simm.s32 $0x32;
	[dreg:$0xe] =	wrdreg s6  }
0x16: {  	s18 =	simm.s32 $0x4000;
	[dreg:$0x5] =	wrdreg s1;
	s0 =	sadd.s32 $0x100, s0  }
0x17: {  	s1 =	simm.s32 $0x19000;
	[dreg:$0xf] =	wrdreg s0;
	s0 =	sshrl.u32 @!p0 s2, $0x3  }
0x18: {  	s6 =	simm.s32 $0x0;
	[dreg:$0x10] =	wrdreg s0;
	s0 =	simm.s32 $0x17400  }
.LBB2_1:
0x19: {  	[dreg:$0x11] =	wrdreg s6  }
0x1a: {  	s5 =	rddreg [dreg:$0x1]  }
0x1b: {  	s4 =	simm.s32 @!p0 $0x1C05;
	s6 =	rddreg [dreg:$0x10]  }
0x1c: {  	[spmem:s6], [sflag:s4] =	dma.local @!p0 [hbm:s5], $0x3E80  }
0x1d: {  	s4 =	simm.s32 @!p0 $0x5  }
0x1e: {  	_ =	swait.ge @!p0 [sflag:s4], $0x3E80  }
0x1f: {  	[sflag:s4] =	ssyncset.done @!p0 $0x0  }
0x20: {  	[sflag:s4] =	ssyncadd.s32 @!p0 $0xFFFFC180  }
0x21: {  	[bflag:$0x0] =	sbarrier.arrive $0xFFFF  }
0x22: {  	s12 =	rddreg [dreg:$0xd]  }
0x23: {  	[tilespmem:s3], [sflag:$0x5] =	stream.linear.gather [hbm4b:s12+s3], $0x400, $0x38;
	[tilespmem:$0x1E740] =	vst v63  }
0x24: {  	_ =	swait.ge [sflag:s8], $0x400  }
0x25: {  	[sflag:s8] =	ssyncset.done $0x0  }
0x26: {  	s10 =	simm.s32 $0x800;
	[sflag:s8] =	ssyncadd.s32 $0xFFFFFC00  }
0x27: {  	[tilespmem:s10], [sflag:$0x1] =	stream.indirect.gather [spmem:s2], $0x80, s3, s9, $0xb8;
	[tilespmem:$0x1E740] =	vst v63  }
0x28: {  	s17 =	simm.s32 $0x80;
	s12 =	simm.s32 $0x2400  }
0x29: {  	[tilespmem:s12], [sflag:$0x1] =	stream.indirect.gather [spmem:s2], $0x80, s17, s9, $0xb8;
	[tilespmem:$0x1E740] =	vst v63  }
0x2a: {  	s19 =	simm.s32 $0x100;
	s17 =	simm.s32 $0x4000  }
0x2b: {  	[tilespmem:s17], [sflag:$0x1] =	stream.indirect.gather [spmem:s2], $0x80, s19, s9, $0xb8;
	[tilespmem:$0x1E740] =	vst v63  }
0x2c: {  	s21 =	simm.s32 $0x180;
	s19 =	simm.s32 $0x5C00  }
0x2d: {  	[tilespmem:s19], [sflag:$0x1] =	stream.indirect.gather [spmem:s2], $0x80, s21, s9, $0xb8;
	[tilespmem:$0x1E740] =	vst v63  }
0x2e: {  	s23 =	simm.s32 $0x200;
	s21 =	simm.s32 $0x7800  }
0x2f: {  	[tilespmem:s21], [sflag:$0x1] =	stream.indirect.gather [spmem:s2], $0x80, s23, s9, $0xb8;
	[tilespmem:$0x1E740] =	vst v63  }
0x30: {  	p1 =	por $0x1, $0x1;
	s5 =	simm.s32 $0x280;
	s23 =	simm.s32 $0x9400  }
0x31: {  	[tilespmem:s23], [sflag:$0x1] =	stream.indirect.gather [spmem:s2], $0x80, s5, s9, $0xb8;
	[tilespmem:$0x1E740] =	vst v63  }
0x32: {  	s7 =	simm.s32 $0xB000;
	s6 =	simm.s32 $0x300;
	p1 =	por p1, p1  }
0x33: {  	[tilespmem:s7], [sflag:$0x1] =	stream.indirect.gather [spmem:s2], $0x80, s6, s9, $0xb8;
	[tilespmem:$0x1E740] =	vst v63  }
0x34: {  	s4 =	simm.s32 @!p1 $0x4;
	s6 =	simm.s32 $0x380;
	s7 =	simm.s32 $0xCC00  }
0x35: {  	[tilespmem:s7], [sflag:$0x1] =	stream.indirect.gather [spmem:s2], $0x80, s6, s9, $0xb8;
	[tilespmem:$0x1E740] =	vst v63  }
0x36: {  	_ =	swait.ge @!p1 [sflag:s4], $0xC800  }
0x37: {  	[sflag:s4] =	ssyncset.done @!p1 $0x0;
	s6 =	rddreg [dreg:$0xf]  }
0x38: {  	[sflag:s4] =	ssyncadd.s32 @!p1 $0xFFFF3800;
	s5 =	sadd.s32 $0xFFFFFF80, s6  }
0x39: {  	[tilespmem:s25], [sflag:$0x5] =	stream.linear.gather [hbm4b:s5+s3], $0x400, $0x38;
	[tilespmem:$0x1E740] =	vst v63  }
0x3a: {  	_ =	swait.ge [sflag:s8], $0x400  }
0x3b: {  	[sflag:s8] =	ssyncset.done $0x0  }
0x3c: {  	[sflag:s8] =	ssyncadd.s32 $0xFFFFFC00  }
0x3d: {  	[tilespmem:s26], [sflag:$0x2] =	stream.indirect.gather [spmem:s2], $0x80, s25, s9, $0xb8;
	[tilespmem:$0x1E740] =	vst v63  }
0x3e: {  	s7 =	rddreg [dreg:$0x6]  }
0x3f: {  	[tilespmem:s28], [sflag:$0x2] =	stream.indirect.gather [spmem:s2], $0x80, s7, s9, $0xb8;
	[tilespmem:$0x1E740] =	vst v63  }
0x40: {  	s5 =	rddreg [dreg:$0x7]  }
0x41: {  	[tilespmem:s29], [sflag:$0x2] =	stream.indirect.gather [spmem:s2], $0x80, s5, s9, $0xb8;
	[tilespmem:$0x1E740] =	vst v63  }
0x42: {  	s7 =	rddreg [dreg:$0x8]  }
0x43: {  	[tilespmem:s30], [sflag:$0x2] =	stream.indirect.gather [spmem:s2], $0x80, s7, s9, $0xb8;
	[tilespmem:$0x1E740] =	vst v63  }
0x44: {  	s5 =	rddreg [dreg:$0x9]  }
0x45: {  	[tilespmem:s31], [sflag:$0x2] =	stream.indirect.gather [spmem:s2], $0x80, s5, s9, $0xb8;
	[tilespmem:$0x1E740] =	vst v63  }
0x46: {  	s7 =	rddreg [dreg:$0xa]  }
0x47: {  	[tilespmem:s0], [sflag:$0x2] =	stream.indirect.gather [spmem:s2], $0x80, s7, s9, $0xb8;
	[tilespmem:$0x1E740] =	vst v63  }
0x48: {  	s5 =	rddreg [dreg:$0xb]  }
0x49: {  	[tilespmem:s1], [sflag:$0x2] =	stream.indirect.gather [spmem:s2], $0x80, s5, s9, $0xb8;
	[tilespmem:$0x1E740] =	vst v63  }
0x4a: {  	s7 =	rddreg [dreg:$0xc]  }
0x4b: {  	[tilespmem:s11], [sflag:$0x2] =	stream.indirect.gather [spmem:s2], $0x80, s7, s9, $0xb8;
	[tilespmem:$0x1E740] =	vst v63  }
0x4c: {  	_ =	swait.ge [sflag:s13], $0x1900  }
0x4d: {  	[sflag:s13] =	ssyncset.done $0x0  }
0x4e: {  	[sflag:s13] =	ssyncadd.s32 $0xFFFFE700  }
0x4f: {  	_ =	swait.ge [sflag:s13], $0x1900  }
0x50: {  	[sflag:s13] =	ssyncset.done $0x0  }
0x51: {  	[sflag:s13] =	ssyncadd.s32 $0xFFFFE700  }
0x52: {  	_ =	swait.ge [sflag:s13], $0x1900  }
0x53: {  	[sflag:s13] =	ssyncset.done $0x0  }
0x54: {  	[sflag:s13] =	ssyncadd.s32 $0xFFFFE700  }
0x55: {  	_ =	swait.ge [sflag:s13], $0x1900  }
0x56: {  	[sflag:s13] =	ssyncset.done $0x0  }
0x57: {  	[sflag:s13] =	ssyncadd.s32 $0xFFFFE700  }
0x58: {  	_ =	swait.ge [sflag:s13], $0x1900  }
0x59: {  	[sflag:s13] =	ssyncset.done $0x0  }
0x5a: {  	[sflag:s13] =	ssyncadd.s32 $0xFFFFE700  }
0x5b: {  	_ =	swait.ge [sflag:s13], $0x1900  }
0x5c: {  	[sflag:s13] =	ssyncset.done $0x0  }
0x5d: {  	[sflag:s13] =	ssyncadd.s32 $0xFFFFE700  }
0x5e: {  	_ =	swait.ge [sflag:s13], $0x1900  }
0x5f: {  	[sflag:s13] =	ssyncset.done $0x0  }
0x60: {  	[sflag:s13] =	ssyncadd.s32 $0xFFFFE700  }
0x61: {  	_ =	swait.ge [sflag:s13], $0x1900  }
0x62: {  	s7 =	rddreg [dreg:$0x5];
	[sflag:s13] =	ssyncset.done $0x0  }
0x63: {  	[sflag:s13] =	ssyncadd.s32 $0xFFFFE700;
	s7 =	sadd.s32 $0x0, s7  }
0x64: {  	[hbm4b:s7+s3] =	stream.linear.scatter [tilespmem:s10], [sflag:$0x3], $0x1900, $0x38;
	[tilespmem:$0x1E740] =	vst v63  }
0x65: {  	s4 =	sadd.s32 $0x380, s7  }
0x66: {  	[hbm4b:s4+s3] =	stream.linear.scatter [tilespmem:s12], [sflag:$0x3], $0x1900, $0x38;
	[tilespmem:$0x1E740] =	vst v63  }
0x67: {  	s12 =	sadd.s32 $0x700, s7  }
0x68: {  	[hbm4b:s12+s3] =	stream.linear.scatter [tilespmem:s17], [sflag:$0x3], $0x1900, $0x38;
	[tilespmem:$0x1E740] =	vst v63  }
0x69: {  	s5 =	sadd.s32 $0xA80, s7  }
0x6a: {  	[hbm4b:s5+s3] =	stream.linear.scatter [tilespmem:s19], [sflag:$0x3], $0x1900, $0x38;
	[tilespmem:$0x1E740] =	vst v63  }
0x6b: {  	s10 =	sadd.s32 $0xE00, s7  }
0x6c: {  	[hbm4b:s10+s3] =	stream.linear.scatter [tilespmem:s21], [sflag:$0x3], $0x1900, $0x38;
	[tilespmem:$0x1E740] =	vst v63  }
0x6d: {  	s12 =	sadd.s32 $0x1180, s7  }
0x6e: {  	[hbm4b:s12+s3] =	stream.linear.scatter [tilespmem:s23], [sflag:$0x3], $0x1900, $0x38;
	[tilespmem:$0x1E740] =	vst v63  }
0x6f: {  	p1 =	por $0x0, $0x0;
	s17 =	sadd.s32 $0x1500, s7;
	s19 =	simm.s32 $0xB000  }
0x70: {  	[hbm4b:s17+s3] =	stream.linear.scatter [tilespmem:s19], [sflag:$0x3], $0x1900, $0x38;
	[tilespmem:$0x1E740] =	vst v63  }
0x71: {  	s4 =	simm.s32 @!p1 $0x3;
	s21 =	sadd.s32 $0x1880, s7;
	s23 =	simm.s32 $0xCC00  }
0x72: {  	[hbm4b:s21+s3] =	stream.linear.scatter [tilespmem:s23], [sflag:$0x3], $0x1900, $0x38;
	[tilespmem:$0x1E740] =	vst v63  }
0x73: {  	_ =	swait.ge @!p1 [sflag:s4], $0xC800  }
0x74: {  	[sflag:s4] =	ssyncset.done @!p1 $0x0  }
0x75: {  	s5 =	simm.s32 @!p1 $0x0;
	[sflag:s4] =	ssyncadd.s32 @!p1 $0xFFFF3800;
	s4 =	simm.s32 @!p1 $0x5  }
0x76: {  	[tilespmem:s5], [sflag:$0x5] =	stream.linear.gather @!p1 [hbm4b:s6+s5], $0x400, $0x38;
	[tilespmem:$0x1E740] =	vst v63  }
0x77: {  	_ =	swait.ge @!p1 [sflag:s4], $0x400  }
0x78: {  	[sflag:s4] =	ssyncset.done @!p1 $0x0  }
0x79: {  	s17 =	simm.s32 @!p1 $0x32;
	[sflag:s4] =	ssyncadd.s32 @!p1 $0xFFFFFC00;
	s4 =	simm.s32 @!p1 $0x800  }
0x7a: {  	[tilespmem:s4], [sflag:$0x1] =	stream.indirect.gather @!p1 [spmem:s2], $0x80, s5, s17, $0xb8;
	[tilespmem:$0x1E740] =	vst v63  }
0x7b: {  	s4 =	simm.s32 @!p1 $0x80;
	s5 =	simm.s32 @!p1 $0x2400  }
0x7c: {  	[tilespmem:s5], [sflag:$0x1] =	stream.indirect.gather @!p1 [spmem:s2], $0x80, s4, s17, $0xb8;
	[tilespmem:$0x1E740] =	vst v63  }
0x7d: {  	s4 =	simm.s32 @!p1 $0x100;
	s5 =	simm.s32 @!p1 $0x4000  }
0x7e: {  	[tilespmem:s5], [sflag:$0x1] =	stream.indirect.gather @!p1 [spmem:s2], $0x80, s4, s17, $0xb8;
	[tilespmem:$0x1E740] =	vst v63  }
0x7f: {  	s4 =	simm.s32 @!p1 $0x180;
	s5 =	simm.s32 @!p1 $0x5C00  }
0x80: {  	[tilespmem:s5], [sflag:$0x1] =	stream.indirect.gather @!p1 [spmem:s2], $0x80, s4, s17, $0xb8;
	[tilespmem:$0x1E740] =	vst v63  }
0x81: {  	s4 =	simm.s32 @!p1 $0x200;
	s5 =	simm.s32 @!p1 $0x7800  }
0x82: {  	[tilespmem:s5], [sflag:$0x1] =	stream.indirect.gather @!p1 [spmem:s2], $0x80, s4, s17, $0xb8;
	[tilespmem:$0x1E740] =	vst v63  }
0x83: {  	s4 =	simm.s32 @!p1 $0x280;
	s5 =	simm.s32 @!p1 $0x9400  }
0x84: {  	[tilespmem:s5], [sflag:$0x1] =	stream.indirect.gather @!p1 [spmem:s2], $0x80, s4, s17, $0xb8;
	[tilespmem:$0x1E740] =	vst v63  }
0x85: {  	s4 =	simm.s32 @!p1 $0x300;
	s5 =	simm.s32 @!p1 $0xB000  }
0x86: {  	[tilespmem:s5], [sflag:$0x1] =	stream.indirect.gather @!p1 [spmem:s2], $0x80, s4, s17, $0xb8;
	[tilespmem:$0x1E740] =	vst v63  }
0x87: {  	s4 =	simm.s32 @!p1 $0x380;
	s5 =	simm.s32 @!p1 $0xCC00  }
0x88: {  	[tilespmem:s5], [sflag:$0x1] =	stream.indirect.gather @!p1 [spmem:s2], $0x80, s4, s17, $0xb8;
	[tilespmem:$0x1E740] =	vst v63  }
0x89: {  	_ =	swait.ge [sflag:s15], $0x1900  }
0x8a: {  	[sflag:s15] =	ssyncset.done $0x0  }
0x8b: {  	[sflag:s15] =	ssyncadd.s32 $0xFFFFE700  }
0x8c: {  	_ =	swait.ge [sflag:s15], $0x1900  }
0x8d: {  	[sflag:s15] =	ssyncset.done $0x0  }
0x8e: {  	[sflag:s15] =	ssyncadd.s32 $0xFFFFE700  }
0x8f: {  	_ =	swait.ge [sflag:s15], $0x1900  }
0x90: {  	[sflag:s15] =	ssyncset.done $0x0  }
0x91: {  	[sflag:s15] =	ssyncadd.s32 $0xFFFFE700  }
0x92: {  	_ =	swait.ge [sflag:s15], $0x1900  }
0x93: {  	[sflag:s15] =	ssyncset.done $0x0  }
0x94: {  	[sflag:s15] =	ssyncadd.s32 $0xFFFFE700  }
0x95: {  	_ =	swait.ge [sflag:s15], $0x1900  }
0x96: {  	[sflag:s15] =	ssyncset.done $0x0  }
0x97: {  	[sflag:s15] =	ssyncadd.s32 $0xFFFFE700  }
0x98: {  	_ =	swait.ge [sflag:s15], $0x1900  }
0x99: {  	[sflag:s15] =	ssyncset.done $0x0  }
0x9a: {  	[sflag:s15] =	ssyncadd.s32 $0xFFFFE700  }
0x9b: {  	_ =	swait.ge [sflag:s15], $0x1900  }
0x9c: {  	[sflag:s15] =	ssyncset.done $0x0  }
0x9d: {  	[sflag:s15] =	ssyncadd.s32 $0xFFFFE700  }
0x9e: {  	_ =	swait.ge [sflag:s15], $0x1900  }
0x9f: {  	[sflag:s15] =	ssyncset.done $0x0  }
0xa0: {  	s5 =	sadd.s32 $0x1C00, s7;
	[sflag:s15] =	ssyncadd.s32 $0xFFFFE700  }
0xa1: {  	[hbm4b:s5+s3] =	stream.linear.scatter [tilespmem:s26], [sflag:$0x4], $0x1900, $0x38;
	[tilespmem:$0x1E740] =	vst v63  }
0xa2: {  	s10 =	sadd.s32 $0x1F80, s7  }
0xa3: {  	[hbm4b:s10+s3] =	stream.linear.scatter [tilespmem:s28], [sflag:$0x4], $0x1900, $0x38;
	[tilespmem:$0x1E740] =	vst v63  }
0xa4: {  	s12 =	sadd.s32 $0x2300, s7  }
0xa5: {  	[hbm4b:s12+s3] =	stream.linear.scatter [tilespmem:s29], [sflag:$0x4], $0x1900, $0x38;
	[tilespmem:$0x1E740] =	vst v63  }
0xa6: {  	s17 =	sadd.s32 $0x2680, s7  }
0xa7: {  	[hbm4b:s17+s3] =	stream.linear.scatter [tilespmem:s30], [sflag:$0x4], $0x1900, $0x38;
	[tilespmem:$0x1E740] =	vst v63  }
0xa8: {  	s19 =	sadd.s32 $0x2A00, s7  }
0xa9: {  	[hbm4b:s19+s3] =	stream.linear.scatter [tilespmem:s31], [sflag:$0x4], $0x1900, $0x38;
	[tilespmem:$0x1E740] =	vst v63  }
0xaa: {  	p6 =	por $0x0, $0x0;
	s21 =	sadd.s32 $0x2D80, s7  }
0xab: {  	[hbm4b:s21+s3] =	stream.linear.scatter [tilespmem:s0], [sflag:$0x4], $0x1900, $0x38;
	[tilespmem:$0x1E740] =	vst v63  }
0xac: {  	s23 =	sadd.s32 $0x3100, s7;
	s4 =	simm.s32 $0x3800;
	p1 =	por p6, p6  }
0xad: {  	[hbm4b:s23+s3] =	stream.linear.scatter [tilespmem:s1], [sflag:$0x4], $0x1900, $0x38;
	[tilespmem:$0x1E740] =	vst v63  }
0xae: {  	s7 =	sadd.s32 $0x3480, s7;
	s5 =	simm.s32 $0x7000;
	s23 =	sadd.s32 $0x100, s6  }
.LBB2_2:
0xaf: {  	s17 =	simm.s32 @!p1 $0x4  }
0xb0: {  	[hbm4b:s7+s3] =	stream.linear.scatter [tilespmem:s11], [sflag:$0x4], $0x1900, $0x38;
	[tilespmem:$0x1E740] =	vst v63  }
0xb1: {  	_ =	swait.ge @!p1 [sflag:s17], $0xC800  }
0xb2: {  	[sflag:s17] =	ssyncset.done @!p1 $0x0  }
0xb3: {  	s12 =	sadd.s32 $0xFFFFFF80, s23;
	[sflag:s17] =	ssyncadd.s32 @!p1 $0xFFFF3800  }
0xb4: {  	[tilespmem:s25], [sflag:$0x5] =	stream.linear.gather [hbm4b:s12+s3], $0x400, $0x38;
	[tilespmem:$0x1E740] =	vst v63  }
0xb5: {  	_ =	swait.ge [sflag:s8], $0x400  }
0xb6: {  	[sflag:s8] =	ssyncset.done $0x0  }
0xb7: {  	[sflag:s8] =	ssyncadd.s32 $0xFFFFFC00  }
0xb8: {  	[tilespmem:s26], [sflag:$0x2] =	stream.indirect.gather [spmem:s2], $0x80, s25, s9, $0xb8;
	[tilespmem:$0x1E740] =	vst v63  }
0xb9: {  	s17 =	rddreg [dreg:$0x6]  }
0xba: {  	[tilespmem:s28], [sflag:$0x2] =	stream.indirect.gather [spmem:s2], $0x80, s17, s9, $0xb8;
	[tilespmem:$0x1E740] =	vst v63  }
0xbb: {  	s21 =	rddreg [dreg:$0x7]  }
0xbc: {  	[tilespmem:s29], [sflag:$0x2] =	stream.indirect.gather [spmem:s2], $0x80, s21, s9, $0xb8;
	[tilespmem:$0x1E740] =	vst v63  }
0xbd: {  	s6 =	rddreg [dreg:$0x8]  }
0xbe: {  	[tilespmem:s30], [sflag:$0x2] =	stream.indirect.gather [spmem:s2], $0x80, s6, s9, $0xb8;
	[tilespmem:$0x1E740] =	vst v63  }
0xbf: {  	s10 =	rddreg [dreg:$0x9]  }
0xc0: {  	[tilespmem:s31], [sflag:$0x2] =	stream.indirect.gather [spmem:s2], $0x80, s10, s9, $0xb8;
	[tilespmem:$0x1E740] =	vst v63  }
0xc1: {  	s12 =	rddreg [dreg:$0xa]  }
0xc2: {  	[tilespmem:s0], [sflag:$0x2] =	stream.indirect.gather [spmem:s2], $0x80, s12, s9, $0xb8;
	[tilespmem:$0x1E740] =	vst v63  }
0xc3: {  	s21 =	rddreg [dreg:$0xb]  }
0xc4: {  	[tilespmem:s1], [sflag:$0x2] =	stream.indirect.gather [spmem:s2], $0x80, s21, s9, $0xb8;
	[tilespmem:$0x1E740] =	vst v63  }
0xc5: {  	s6 =	rddreg [dreg:$0xc]  }
0xc6: {  	[tilespmem:s11], [sflag:$0x2] =	stream.indirect.gather [spmem:s2], $0x80, s6, s9, $0xb8;
	[tilespmem:$0x1E740] =	vst v63  }
0xc7: {  	_ =	swait.ge [sflag:s13], $0x1900  }
0xc8: {  	[sflag:s13] =	ssyncset.done $0x0  }
0xc9: {  	[sflag:s13] =	ssyncadd.s32 $0xFFFFE700  }
0xca: {  	_ =	swait.ge [sflag:s13], $0x1900  }
0xcb: {  	[sflag:s13] =	ssyncset.done $0x0  }
0xcc: {  	[sflag:s13] =	ssyncadd.s32 $0xFFFFE700  }
0xcd: {  	_ =	swait.ge [sflag:s13], $0x1900  }
0xce: {  	[sflag:s13] =	ssyncset.done $0x0  }
0xcf: {  	[sflag:s13] =	ssyncadd.s32 $0xFFFFE700  }
0xd0: {  	_ =	swait.ge [sflag:s13], $0x1900  }
0xd1: {  	[sflag:s13] =	ssyncset.done $0x0  }
0xd2: {  	[sflag:s13] =	ssyncadd.s32 $0xFFFFE700  }
0xd3: {  	_ =	swait.ge [sflag:s13], $0x1900  }
0xd4: {  	[sflag:s13] =	ssyncset.done $0x0  }
0xd5: {  	[sflag:s13] =	ssyncadd.s32 $0xFFFFE700  }
0xd6: {  	_ =	swait.ge [sflag:s13], $0x1900  }
0xd7: {  	[sflag:s13] =	ssyncset.done $0x0  }
0xd8: {  	[sflag:s13] =	ssyncadd.s32 $0xFFFFE700  }
0xd9: {  	_ =	swait.ge [sflag:s13], $0x1900  }
0xda: {  	[sflag:s13] =	ssyncset.done $0x0  }
0xdb: {  	[sflag:s13] =	ssyncadd.s32 $0xFFFFE700  }
0xdc: {  	_ =	swait.ge [sflag:s13], $0x1900  }
0xdd: {  	s10 =	rddreg [dreg:$0x5];
	[sflag:s13] =	ssyncset.done $0x0  }
0xde: {  	[sflag:s13] =	ssyncadd.s32 $0xFFFFE700;
	s17 =	sadd.s32 s4, s10  }
0xdf: {  	[hbm4b:s17+s3] =	stream.linear.scatter [tilespmem:s14], [sflag:$0x3], $0x1900, $0x38;
	[tilespmem:$0x1E740] =	vst v63  }
0xe0: {  	s6 =	sadd.s32 $0x380, s17  }
0xe1: {  	[hbm4b:s6+s3] =	stream.linear.scatter [tilespmem:s16], [sflag:$0x3], $0x1900, $0x38;
	[tilespmem:$0x1E740] =	vst v63  }
0xe2: {  	s12 =	sadd.s32 $0x700, s17  }
0xe3: {  	[hbm4b:s12+s3] =	stream.linear.scatter [tilespmem:s18], [sflag:$0x3], $0x1900, $0x38;
	[tilespmem:$0x1E740] =	vst v63  }
0xe4: {  	s21 =	sadd.s32 $0xA80, s17  }
0xe5: {  	[hbm4b:s21+s3] =	stream.linear.scatter [tilespmem:s20], [sflag:$0x3], $0x1900, $0x38;
	[tilespmem:$0x1E740] =	vst v63  }
0xe6: {  	p3 =	seq.s32 s5, $0x0;
	s10 =	sadd.s32 $0xE00, s17  }
0xe7: {  	[hbm4b:s10+s3] =	stream.linear.scatter [tilespmem:s22], [sflag:$0x3], $0x1900, $0x38;
	[tilespmem:$0x1E740] =	vst v63  }
0xe8: {  	p1 =	por p3, p3;
	s12 =	sadd.s32 $0x1180, s17  }
0xe9: {  	[hbm4b:s12+s3] =	stream.linear.scatter [tilespmem:s24], [sflag:$0x3], $0x1900, $0x38;
	[tilespmem:$0x1E740] =	vst v63  }
0xea: {  	p3 =	seq.s32 s4, $0x6C800;
	s21 =	sadd.s32 $0x1500, s17;
	s10 =	simm.s32 $0xB000  }
0xeb: {  	[hbm4b:s21+s3] =	stream.linear.scatter [tilespmem:s10], [sflag:$0x3], $0x1900, $0x38;
	[tilespmem:$0x1E740] =	vst v63  }
0xec: {  	s6 =	simm.s32 @!p3 $0x3;
	s12 =	sadd.s32 $0x1880, s17;
	s21 =	simm.s32 $0xCC00  }
0xed: {  	[hbm4b:s12+s3] =	stream.linear.scatter [tilespmem:s21], [sflag:$0x3], $0x1900, $0x38;
	[tilespmem:$0x1E740] =	vst v63  }
0xee: {  	s19 =	smov.u32 s5;
	_ =	swait.ge @!p3 [sflag:s6], $0xC800  }
0xef: {  	s4 =	smov.u32 s19;
	[sflag:s6] =	ssyncset.done @!p3 $0x0  }
0xf0: {  	s19 =	simm.s32 @!p3 $0x0;
	[sflag:s6] =	ssyncadd.s32 @!p3 $0xFFFF3800;
	s6 =	simm.s32 @!p3 $0x5  }
0xf1: {  	[tilespmem:s19], [sflag:$0x5] =	stream.linear.gather @!p3 [hbm4b:s23+s19], $0x400, $0x38;
	[tilespmem:$0x1E740] =	vst v63  }
0xf2: {  	_ =	swait.ge @!p3 [sflag:s6], $0x400  }
0xf3: {  	[sflag:s6] =	ssyncset.done @!p3 $0x0  }
0xf4: {  	s10 =	simm.s32 @!p3 $0x800;
	s21 =	simm.s32 @!p3 $0x32;
	[sflag:s6] =	ssyncadd.s32 @!p3 $0xFFFFFC00  }
0xf5: {  	[tilespmem:s10], [sflag:$0x1] =	stream.indirect.gather @!p3 [spmem:s2], $0x80, s19, s21, $0xb8;
	[tilespmem:$0x1E740] =	vst v63  }
0xf6: {  	s12 =	simm.s32 @!p3 $0x2400;
	s6 =	simm.s32 @!p3 $0x80  }
0xf7: {  	[tilespmem:s12], [sflag:$0x1] =	stream.indirect.gather @!p3 [spmem:s2], $0x80, s6, s21, $0xb8;
	[tilespmem:$0x1E740] =	vst v63  }
0xf8: {  	s10 =	simm.s32 @!p3 $0x100;
	s19 =	simm.s32 @!p3 $0x4000  }
0xf9: {  	[tilespmem:s19], [sflag:$0x1] =	stream.indirect.gather @!p3 [spmem:s2], $0x80, s10, s21, $0xb8;
	[tilespmem:$0x1E740] =	vst v63  }
0xfa: {  	s6 =	simm.s32 @!p3 $0x180;
	s12 =	simm.s32 @!p3 $0x5C00  }
0xfb: {  	[tilespmem:s12], [sflag:$0x1] =	stream.indirect.gather @!p3 [spmem:s2], $0x80, s6, s21, $0xb8;
	[tilespmem:$0x1E740] =	vst v63  }
0xfc: {  	s10 =	simm.s32 @!p3 $0x200;
	s19 =	simm.s32 @!p3 $0x7800  }
0xfd: {  	[tilespmem:s19], [sflag:$0x1] =	stream.indirect.gather @!p3 [spmem:s2], $0x80, s10, s21, $0xb8;
	[tilespmem:$0x1E740] =	vst v63  }
0xfe: {  	s6 =	simm.s32 @!p3 $0x280;
	s12 =	simm.s32 @!p3 $0x9400  }
0xff: {  	[tilespmem:s12], [sflag:$0x1] =	stream.indirect.gather @!p3 [spmem:s2], $0x80, s6, s21, $0xb8;
	[tilespmem:$0x1E740] =	vst v63  }
0x100: {  	s10 =	simm.s32 @!p3 $0x300;
	s19 =	simm.s32 @!p3 $0xB000  }
0x101: {  	[tilespmem:s19], [sflag:$0x1] =	stream.indirect.gather @!p3 [spmem:s2], $0x80, s10, s21, $0xb8;
	[tilespmem:$0x1E740] =	vst v63  }
0x102: {  	s6 =	simm.s32 @!p3 $0x380;
	s12 =	simm.s32 @!p3 $0xCC00  }
0x103: {  	[tilespmem:s12], [sflag:$0x1] =	stream.indirect.gather @!p3 [spmem:s2], $0x80, s6, s21, $0xb8;
	[tilespmem:$0x1E740] =	vst v63  }
0x104: {  	_ =	swait.ge [sflag:s15], $0x1900  }
0x105: {  	[sflag:s15] =	ssyncset.done $0x0  }
0x106: {  	[sflag:s15] =	ssyncadd.s32 $0xFFFFE700  }
0x107: {  	_ =	swait.ge [sflag:s15], $0x1900  }
0x108: {  	[sflag:s15] =	ssyncset.done $0x0  }
0x109: {  	[sflag:s15] =	ssyncadd.s32 $0xFFFFE700  }
0x10a: {  	_ =	swait.ge [sflag:s15], $0x1900  }
0x10b: {  	[sflag:s15] =	ssyncset.done $0x0  }
0x10c: {  	[sflag:s15] =	ssyncadd.s32 $0xFFFFE700  }
0x10d: {  	_ =	swait.ge [sflag:s15], $0x1900  }
0x10e: {  	[sflag:s15] =	ssyncset.done $0x0  }
0x10f: {  	[sflag:s15] =	ssyncadd.s32 $0xFFFFE700  }
0x110: {  	_ =	swait.ge [sflag:s15], $0x1900  }
0x111: {  	[sflag:s15] =	ssyncset.done $0x0  }
0x112: {  	[sflag:s15] =	ssyncadd.s32 $0xFFFFE700  }
0x113: {  	_ =	swait.ge [sflag:s15], $0x1900  }
0x114: {  	[sflag:s15] =	ssyncset.done $0x0  }
0x115: {  	[sflag:s15] =	ssyncadd.s32 $0xFFFFE700  }
0x116: {  	_ =	swait.ge [sflag:s15], $0x1900  }
0x117: {  	[sflag:s15] =	ssyncset.done $0x0  }
0x118: {  	[sflag:s15] =	ssyncadd.s32 $0xFFFFE700  }
0x119: {  	_ =	swait.ge [sflag:s15], $0x1900  }
0x11a: {  	[sflag:s15] =	ssyncset.done $0x0  }
0x11b: {  	s12 =	sadd.s32 $0x1C00, s17;
	[sflag:s15] =	ssyncadd.s32 $0xFFFFE700  }
0x11c: {  	[hbm4b:s12+s3] =	stream.linear.scatter [tilespmem:s26], [sflag:$0x4], $0x1900, $0x38;
	[tilespmem:$0x1E740] =	vst v63  }
0x11d: {  	s19 =	sadd.s32 $0x1F80, s17  }
0x11e: {  	[hbm4b:s19+s3] =	stream.linear.scatter [tilespmem:s28], [sflag:$0x4], $0x1900, $0x38;
	[tilespmem:$0x1E740] =	vst v63  }
0x11f: {  	s21 =	sadd.s32 $0x2300, s17  }
0x120: {  	[hbm4b:s21+s3] =	stream.linear.scatter [tilespmem:s29], [sflag:$0x4], $0x1900, $0x38;
	[tilespmem:$0x1E740] =	vst v63  }
0x121: {  	s5 =	sadd.s32 $0x3800, s5;
	s10 =	sadd.s32 $0x2680, s17  }
0x122: {  	[hbm4b:s10+s3] =	stream.linear.scatter [tilespmem:s30], [sflag:$0x4], $0x1900, $0x38;
	[tilespmem:$0x1E740] =	vst v63  }
0x123: {  	p2 =	sne.s32 s5, $0x70000;
	s12 =	sadd.s32 $0x2A00, s17  }
0x124: {  	[hbm4b:s12+s3] =	stream.linear.scatter [tilespmem:s31], [sflag:$0x4], $0x1900, $0x38;
	[tilespmem:$0x1E740] =	vst v63  }
.Ltmp0:
0x125: {  	_ = 	snop;
	(pc) =	sbr.rel @p2 .LBB2_2-.Ltmp0, $4  }
0x126: {  	s19 =	sadd.s32 $0x2D80, s17  }
0x127: {  	[hbm4b:s19+s3] =	stream.linear.scatter [tilespmem:s0], [sflag:$0x4], $0x1900, $0x38;
	[tilespmem:$0x1E740] =	vst v63  }
0x128: {  	s7 =	sadd.s32 $0x3480, s17;
	s23 =	sadd.s32 $0x100, s23;
	s21 =	sadd.s32 $0x3100, s17  }
0x129: {  	[hbm4b:s21+s3] =	stream.linear.scatter [tilespmem:s1], [sflag:$0x4], $0x1900, $0x38;
	[tilespmem:$0x1E740] =	vst v63  }
0x12a: {  	s5 =	simm.s32 @!p1 $0x4  }
0x12b: {  	[hbm4b:s7+s3] =	stream.linear.scatter [tilespmem:s11], [sflag:$0x4], $0x1900, $0x38;
	[tilespmem:$0x1E740] =	vst v63  }
0x12c: {  	_ =	swait.ge @!p1 [sflag:s5], $0xC800  }
0x12d: {  	[sflag:s5] =	ssyncset.done @!p1 $0x0  }
0x12e: {  	s17 =	sadd.s32 $0xFFFFFF80, s23;
	[sflag:s5] =	ssyncadd.s32 @!p1 $0xFFFF3800  }
0x12f: {  	[tilespmem:s25], [sflag:$0x5] =	stream.linear.gather [hbm4b:s17+s3], $0x400, $0x38;
	[tilespmem:$0x1E740] =	vst v63  }
0x130: {  	_ =	swait.ge [sflag:s8], $0x400  }
0x131: {  	[sflag:s8] =	ssyncset.done $0x0  }
0x132: {  	[sflag:s8] =	ssyncadd.s32 $0xFFFFFC00  }
0x133: {  	[tilespmem:s26], [sflag:$0x2] =	stream.indirect.gather [spmem:s2], $0x80, s25, s9, $0xb8;
	[tilespmem:$0x1E740] =	vst v63  }
0x134: {  	s19 =	rddreg [dreg:$0x6]  }
0x135: {  	[tilespmem:s28], [sflag:$0x2] =	stream.indirect.gather [spmem:s2], $0x80, s19, s9, $0xb8;
	[tilespmem:$0x1E740] =	vst v63  }
0x136: {  	s6 =	rddreg [dreg:$0x7]  }
0x137: {  	[tilespmem:s29], [sflag:$0x2] =	stream.indirect.gather [spmem:s2], $0x80, s6, s9, $0xb8;
	[tilespmem:$0x1E740] =	vst v63  }
0x138: {  	s21 =	rddreg [dreg:$0x8]  }
0x139: {  	[tilespmem:s30], [sflag:$0x2] =	stream.indirect.gather [spmem:s2], $0x80, s21, s9, $0xb8;
	[tilespmem:$0x1E740] =	vst v63  }
0x13a: {  	s7 =	rddreg [dreg:$0x9]  }
0x13b: {  	[tilespmem:s31], [sflag:$0x2] =	stream.indirect.gather [spmem:s2], $0x80, s7, s9, $0xb8;
	[tilespmem:$0x1E740] =	vst v63  }
0x13c: {  	s10 =	rddreg [dreg:$0xa]  }
0x13d: {  	[tilespmem:s0], [sflag:$0x2] =	stream.indirect.gather [spmem:s2], $0x80, s10, s9, $0xb8;
	[tilespmem:$0x1E740] =	vst v63  }
0x13e: {  	s12 =	rddreg [dreg:$0xb]  }
0x13f: {  	[tilespmem:s1], [sflag:$0x2] =	stream.indirect.gather [spmem:s2], $0x80, s12, s9, $0xb8;
	[tilespmem:$0x1E740] =	vst v63  }
0x140: {  	s17 =	rddreg [dreg:$0xc]  }
0x141: {  	[tilespmem:s11], [sflag:$0x2] =	stream.indirect.gather [spmem:s2], $0x80, s17, s9, $0xb8;
	[tilespmem:$0x1E740] =	vst v63  }
0x142: {  	_ =	swait.ge [sflag:s13], $0x1900  }
0x143: {  	[sflag:s13] =	ssyncset.done $0x0  }
0x144: {  	[sflag:s13] =	ssyncadd.s32 $0xFFFFE700  }
0x145: {  	_ =	swait.ge [sflag:s13], $0x1900  }
0x146: {  	[sflag:s13] =	ssyncset.done $0x0  }
0x147: {  	[sflag:s13] =	ssyncadd.s32 $0xFFFFE700  }
0x148: {  	_ =	swait.ge [sflag:s13], $0x1900  }
0x149: {  	[sflag:s13] =	ssyncset.done $0x0  }
0x14a: {  	[sflag:s13] =	ssyncadd.s32 $0xFFFFE700  }
0x14b: {  	_ =	swait.ge [sflag:s13], $0x1900  }
0x14c: {  	[sflag:s13] =	ssyncset.done $0x0  }
0x14d: {  	[sflag:s13] =	ssyncadd.s32 $0xFFFFE700  }
0x14e: {  	_ =	swait.ge [sflag:s13], $0x1900  }
0x14f: {  	[sflag:s13] =	ssyncset.done $0x0  }
0x150: {  	[sflag:s13] =	ssyncadd.s32 $0xFFFFE700  }
0x151: {  	_ =	swait.ge [sflag:s13], $0x1900  }
0x152: {  	[sflag:s13] =	ssyncset.done $0x0  }
0x153: {  	[sflag:s13] =	ssyncadd.s32 $0xFFFFE700  }
0x154: {  	_ =	swait.ge [sflag:s13], $0x1900  }
0x155: {  	[sflag:s13] =	ssyncset.done $0x0  }
0x156: {  	[sflag:s13] =	ssyncadd.s32 $0xFFFFE700  }
0x157: {  	_ =	swait.ge [sflag:s13], $0x1900  }
0x158: {  	s19 =	rddreg [dreg:$0x5];
	[sflag:s13] =	ssyncset.done $0x0  }
0x159: {  	[sflag:s13] =	ssyncadd.s32 $0xFFFFE700;
	s5 =	sadd.s32 s4, s19  }
0x15a: {  	[hbm4b:s5+s3] =	stream.linear.scatter [tilespmem:s14], [sflag:$0x3], $0x1900, $0x38;
	[tilespmem:$0x1E740] =	vst v63  }
0x15b: {  	s21 =	sadd.s32 $0x380, s5  }
0x15c: {  	[hbm4b:s21+s3] =	stream.linear.scatter [tilespmem:s16], [sflag:$0x3], $0x1900, $0x38;
	[tilespmem:$0x1E740] =	vst v63  }
0x15d: {  	s7 =	sadd.s32 $0x700, s5  }
0x15e: {  	[hbm4b:s7+s3] =	stream.linear.scatter [tilespmem:s18], [sflag:$0x3], $0x1900, $0x38;
	[tilespmem:$0x1E740] =	vst v63  }
0x15f: {  	s10 =	sadd.s32 $0xA80, s5  }
0x160: {  	[hbm4b:s10+s3] =	stream.linear.scatter [tilespmem:s20], [sflag:$0x3], $0x1900, $0x38;
	[tilespmem:$0x1E740] =	vst v63  }
0x161: {  	s12 =	sadd.s32 $0xE00, s5  }
0x162: {  	[hbm4b:s12+s3] =	stream.linear.scatter [tilespmem:s22], [sflag:$0x3], $0x1900, $0x38;
	[tilespmem:$0x1E740] =	vst v63  }
0x163: {  	s17 =	sadd.s32 $0x1180, s5  }
0x164: {  	[hbm4b:s17+s3] =	stream.linear.scatter [tilespmem:s24], [sflag:$0x3], $0x1900, $0x38;
	[tilespmem:$0x1E740] =	vst v63  }
0x165: {  	p1 =	seq.s32 s4, $0x6C800;
	s19 =	sadd.s32 $0x1500, s5;
	s21 =	simm.s32 $0xB000  }
0x166: {  	[hbm4b:s19+s3] =	stream.linear.scatter [tilespmem:s21], [sflag:$0x3], $0x1900, $0x38;
	[tilespmem:$0x1E740] =	vst v63  }
0x167: {  	s4 =	simm.s32 @!p1 $0x3;
	s10 =	sadd.s32 $0x1880, s5;
	s12 =	simm.s32 $0xCC00  }
0x168: {  	[hbm4b:s10+s3] =	stream.linear.scatter [tilespmem:s12], [sflag:$0x3], $0x1900, $0x38;
	[tilespmem:$0x1E740] =	vst v63  }
0x169: {  	_ =	swait.ge @!p1 [sflag:s4], $0xC800  }
0x16a: {  	[sflag:s4] =	ssyncset.done @!p1 $0x0  }
0x16b: {  	s6 =	simm.s32 @!p1 $0x0;
	[sflag:s4] =	ssyncadd.s32 @!p1 $0xFFFF3800;
	s4 =	simm.s32 @!p1 $0x5  }
0x16c: {  	[tilespmem:s6], [sflag:$0x5] =	stream.linear.gather @!p1 [hbm4b:s23+s6], $0x400, $0x38;
	[tilespmem:$0x1E740] =	vst v63  }
0x16d: {  	_ =	swait.ge @!p1 [sflag:s4], $0x400  }
0x16e: {  	[sflag:s4] =	ssyncset.done @!p1 $0x0  }
0x16f: {  	s7 =	simm.s32 @!p1 $0x32;
	[sflag:s4] =	ssyncadd.s32 @!p1 $0xFFFFFC00;
	s4 =	simm.s32 @!p1 $0x800  }
0x170: {  	[tilespmem:s4], [sflag:$0x1] =	stream.indirect.gather @!p1 [spmem:s2], $0x80, s6, s7, $0xb8;
	[tilespmem:$0x1E740] =	vst v63  }
0x171: {  	s4 =	simm.s32 @!p1 $0x80;
	s6 =	simm.s32 @!p1 $0x2400  }
0x172: {  	[tilespmem:s6], [sflag:$0x1] =	stream.indirect.gather @!p1 [spmem:s2], $0x80, s4, s7, $0xb8;
	[tilespmem:$0x1E740] =	vst v63  }
0x173: {  	s4 =	simm.s32 @!p1 $0x100;
	s6 =	simm.s32 @!p1 $0x4000  }
0x174: {  	[tilespmem:s6], [sflag:$0x1] =	stream.indirect.gather @!p1 [spmem:s2], $0x80, s4, s7, $0xb8;
	[tilespmem:$0x1E740] =	vst v63  }
0x175: {  	s4 =	simm.s32 @!p1 $0x180;
	s6 =	simm.s32 @!p1 $0x5C00  }
0x176: {  	[tilespmem:s6], [sflag:$0x1] =	stream.indirect.gather @!p1 [spmem:s2], $0x80, s4, s7, $0xb8;
	[tilespmem:$0x1E740] =	vst v63  }
0x177: {  	s4 =	simm.s32 @!p1 $0x200;
	s6 =	simm.s32 @!p1 $0x7800  }
0x178: {  	[tilespmem:s6], [sflag:$0x1] =	stream.indirect.gather @!p1 [spmem:s2], $0x80, s4, s7, $0xb8;
	[tilespmem:$0x1E740] =	vst v63  }
0x179: {  	s4 =	simm.s32 @!p1 $0x280;
	s6 =	simm.s32 @!p1 $0x9400  }
0x17a: {  	[tilespmem:s6], [sflag:$0x1] =	stream.indirect.gather @!p1 [spmem:s2], $0x80, s4, s7, $0xb8;
	[tilespmem:$0x1E740] =	vst v63  }
0x17b: {  	s4 =	simm.s32 @!p1 $0x300;
	s6 =	simm.s32 @!p1 $0xB000  }
0x17c: {  	[tilespmem:s6], [sflag:$0x1] =	stream.indirect.gather @!p1 [spmem:s2], $0x80, s4, s7, $0xb8;
	[tilespmem:$0x1E740] =	vst v63  }
0x17d: {  	s4 =	simm.s32 @!p1 $0x380;
	s6 =	simm.s32 @!p1 $0xCC00  }
0x17e: {  	[tilespmem:s6], [sflag:$0x1] =	stream.indirect.gather @!p1 [spmem:s2], $0x80, s4, s7, $0xb8;
	[tilespmem:$0x1E740] =	vst v63  }
0x17f: {  	_ =	swait.ge [sflag:s15], $0x1900  }
0x180: {  	[sflag:s15] =	ssyncset.done $0x0  }
0x181: {  	[sflag:s15] =	ssyncadd.s32 $0xFFFFE700  }
0x182: {  	_ =	swait.ge [sflag:s15], $0x1900  }
0x183: {  	[sflag:s15] =	ssyncset.done $0x0  }
0x184: {  	[sflag:s15] =	ssyncadd.s32 $0xFFFFE700  }
0x185: {  	_ =	swait.ge [sflag:s15], $0x1900  }
0x186: {  	[sflag:s15] =	ssyncset.done $0x0  }
0x187: {  	[sflag:s15] =	ssyncadd.s32 $0xFFFFE700  }
0x188: {  	_ =	swait.ge [sflag:s15], $0x1900  }
0x189: {  	[sflag:s15] =	ssyncset.done $0x0  }
0x18a: {  	[sflag:s15] =	ssyncadd.s32 $0xFFFFE700  }
0x18b: {  	_ =	swait.ge [sflag:s15], $0x1900  }
0x18c: {  	[sflag:s15] =	ssyncset.done $0x0  }
0x18d: {  	[sflag:s15] =	ssyncadd.s32 $0xFFFFE700  }
0x18e: {  	_ =	swait.ge [sflag:s15], $0x1900  }
0x18f: {  	[sflag:s15] =	ssyncset.done $0x0  }
0x190: {  	[sflag:s15] =	ssyncadd.s32 $0xFFFFE700  }
0x191: {  	_ =	swait.ge [sflag:s15], $0x1900  }
0x192: {  	[sflag:s15] =	ssyncset.done $0x0  }
0x193: {  	[sflag:s15] =	ssyncadd.s32 $0xFFFFE700  }
0x194: {  	_ =	swait.ge [sflag:s15], $0x1900  }
0x195: {  	[sflag:s15] =	ssyncset.done $0x0  }
0x196: {  	s17 =	sadd.s32 $0x1C00, s5;
	[sflag:s15] =	ssyncadd.s32 $0xFFFFE700  }
0x197: {  	[hbm4b:s17+s3] =	stream.linear.scatter [tilespmem:s26], [sflag:$0x4], $0x1900, $0x38;
	[tilespmem:$0x1E740] =	vst v63  }
0x198: {  	s19 =	sadd.s32 $0x1F80, s5  }
0x199: {  	[hbm4b:s19+s3] =	stream.linear.scatter [tilespmem:s28], [sflag:$0x4], $0x1900, $0x38;
	[tilespmem:$0x1E740] =	vst v63  }
0x19a: {  	s21 =	sadd.s32 $0x2300, s5  }
0x19b: {  	[hbm4b:s21+s3] =	stream.linear.scatter [tilespmem:s29], [sflag:$0x4], $0x1900, $0x38;
	[tilespmem:$0x1E740] =	vst v63  }
0x19c: {  	s23 =	sadd.s32 $0x2680, s5  }
0x19d: {  	[hbm4b:s23+s3] =	stream.linear.scatter [tilespmem:s30], [sflag:$0x4], $0x1900, $0x38;
	[tilespmem:$0x1E740] =	vst v63  }
0x19e: {  	s6 =	sadd.s32 $0x2A00, s5  }
0x19f: {  	[hbm4b:s6+s3] =	stream.linear.scatter [tilespmem:s31], [sflag:$0x4], $0x1900, $0x38;
	[tilespmem:$0x1E740] =	vst v63  }
0x1a0: {  	s7 =	sadd.s32 $0x2D80, s5  }
0x1a1: {  	[hbm4b:s7+s3] =	stream.linear.scatter [tilespmem:s0], [sflag:$0x4], $0x1900, $0x38;
	[tilespmem:$0x1E740] =	vst v63  }
0x1a2: {  	s10 =	sadd.s32 $0x3100, s5  }
0x1a3: {  	[hbm4b:s10+s3] =	stream.linear.scatter [tilespmem:s1], [sflag:$0x4], $0x1900, $0x38;
	[tilespmem:$0x1E740] =	vst v63  }
0x1a4: {  	s12 =	sadd.s32 $0x3480, s5;
	s17 =	simm.s32 $0x3  }
0x1a5: {  	[hbm4b:s12+s3] =	stream.linear.scatter [tilespmem:s11], [sflag:$0x4], $0x1900, $0x38;
	[tilespmem:$0x1E740] =	vst v63  }
0x1a6: {  	_ =	swait.ge [sflag:s17], $0xC800  }
0x1a7: {  	[sflag:s17] =	ssyncset.done $0x0  }
0x1a8: {  	s19 =	simm.s32 $0x4;
	[sflag:s17] =	ssyncadd.s32 $0xFFFF3800  }
0x1a9: {  	_ =	swait.ge [sflag:s19], $0xC800  }
0x1aa: {  	s21 =	rddreg [dreg:$0x11]  }
0x1ab: {  	s23 =	rddreg [dreg:$0xe];
	s6 =	sadd.s32 $0x1, s21  }
0x1ac: {  	p1 =	sne.s32 s6, s23  }
.Ltmp1:
0x1ad: {  	_ = 	snop;
	(pc) =	sbr.rel @p1 .LBB2_1-.Ltmp1, $3  }
0x1ae: {  	_ =	sdelay $0x1  }
0x1af: {  	[sflag:s19] =	ssyncset.done $0x0  }
0x1b0: {  	[sflag:s19] =	ssyncadd.s32 $0xFFFF3800  }
0x1b1: {  	_ =	sfence.sel $0x180000  }
0x1b2: {  	[bflag:$0x0] =	sbarrier.arrive $0xFFFF  }
0x1b3: {  	_ =	strace $0x90000047  }
0x1b4: {  	[bflag:$0x2] =	sbarrier.arrive $0xFFFF  }
0x1b5: {  	s0 =	rddreg [dreg:$0x4]  }
0x1b6: {  	s0 =	sadd.s32 @!p0 $0x100000, s0  }
0x1b7: {  	[sflag:s0] =	ssyncadd.tile.s32 @!p0 $0x1;
	_ =	shalt  }
.Lfunc_end2:
_tile_overlayer_lowered:
.L_overlay_start_2:
0x1b8: {  	(tag) =	ssettag $0x2  }
0x1b9: {  	s0 =	rddreg [dreg:$0x0];
	s2 =	stileid.u32  }
0x1ba: {  	s1 =	rddreg [dreg:$0x1];
	p0 =	sne.s32 s2, $0x0  }
0x1bb: {  	s3 =	rddreg [dreg:$0x2];
	[bflag:$0x3] =	sbarrier.arrive $0xFFFF;
	s2 =	simm.s32 @!p0 $0x1C05  }
0x1bc: {  	[timem:s3], [sflag:s2] =	dma.local @!p0 [hbm:s0], s1  }
0x1bd: {  	s0 =	simm.s32 @!p0 $0x5  }
0x1be: {  	_ =	swait.ge @!p0 [sflag:s0], s1  }
0x1bf: {  	s1 =	ssub.s32 @!p0 $0x0, s1;
	[sflag:s0] =	ssyncset.done @!p0 $0x0  }
0x1c0: {  	[sflag:s0] =	ssyncadd.s32 @!p0 s1  }
0x1c1: {  	[bflag:$0x3] =	sbarrier.arrive $0xFFFF  }
0x1c2: {  	_ =	shalt  }

</sc_bundles>
